<compile_context>
chip_gen: v7x
topology: tpu7x:2x2x1
jax: 0.10.2.dev20260603
libtpu: 0.0.44.dev20260713+nightly
codegen_flags: <defaults>
</compile_context>

<pallas_src>
import jax
import jax.numpy as jnp
from jax import lax
from jax.experimental import pallas as pl
from jax.experimental.pallas import tpu as pltpu
from jax.experimental.pallas import tpu_sc as plsc

_N = 20000
_C = 10
_NMS_THR = 0.5
_SCORE_THR = 0.05
_MAX_BOXES = 100

_NB = _N // 16
_NSB = 79
_L1 = _NSB * 16
_NL2 = 5
_KPAD = 112
_NCORES = 1
_NSUBCORES = 16


def _tree_max(vs):
    while len(vs) > 1:
        vs = [jnp.maximum(a, b) for a, b in zip(vs[::2], vs[1::2])] + (
            [vs[-1]] if len(vs) % 2 else [])
    return vs[0]


def _sc_body(coords_hbm, scores_hbm, out_hbm,
             x1v, y1v, x2v, y2v, sv, l1, l2s,
             kx1, ky1, kx2, ky2, karea, kidx, kval, sem_s, sem_c):
    cid = lax.axis_index("c")
    sid = lax.axis_index("s")
    wid = cid * _NSUBCORES + sid

    @pl.when(wid < _C)
    def _work():
        iota = lax.iota(jnp.int32, 16)
        iota16 = iota * 16
        lane0 = iota == 0
        neg1 = jnp.full((16,), -1.0, jnp.float32)
        big = jnp.int32(1 << 30)

        cp_s = pltpu.async_copy(scores_hbm.at[pl.ds(wid * _N, _N)], sv, sem_s)
        cps = [pltpu.async_copy(coords_hbm.at[pl.ds(j * _N, _N)], dst, sem_c)
               for j, dst in enumerate((x1v, y1v, x2v, y2v))]
        cp_s.wait()

        for j in range(_KPAD // 16):
            kidx[pl.ds(j * 16, 16)] = jnp.zeros((16,), jnp.int32)

        def build_l1(g, c):
            base = g * 256
            vs = []
            for k in range(16):
                v = plsc.load_gather(sv, [base + iota16 + k])
                vs.append(jnp.where(v > _SCORE_THR, v, -1.0))
            l1[pl.ds(g * 16, 16)] = _tree_max(vs)
            return c

        lax.fori_loop(0, _NSB - 1, build_l1, 0)
        base = (_NSB - 1) * 256
        vs = []
        for k in range(16):
            ids = base + iota16 + k
            v = plsc.load_gather(sv, [jnp.minimum(ids, _N - 1)])
            vs.append(jnp.where((v > _SCORE_THR) & (ids < _N), v, -1.0))
        l1[pl.ds((_NSB - 1) * 16, 16)] = _tree_max(vs)

        def build_l2(g2, c):
            vs = []
            for k in range(16):
                ids = g2 * 256 + iota16 + k
                v = plsc.load_gather(l1, [jnp.minimum(ids, _L1 - 1)])
                vs.append(jnp.where(ids < _L1, v, -1.0))
            l2s[pl.ds(g2 * 16, 16)] = _tree_max(vs)
            return c

        lax.fori_loop(0, _NL2, build_l2, 0)
        l2 = [l2s[pl.ds(j * 16, 16)] for j in range(_NL2)]
        gmax0 = jnp.max(_tree_max(list(l2)))

        for cp in cps:
            cp.wait()

        def cond(carry):
            kept, gmax = carry[0], carry[1]
            return (kept < _MAX_BOXES) & (gmax > 0.0)

        def body(carry):
            kept, gmax = carry[0], carry[1]
            l2 = list(carry[2:])
            gmaxv = jnp.broadcast_to(gmax, (16,))
            keptv = jnp.broadcast_to(kept, (16,))

            sbv = jnp.full((16,), big, jnp.int32)
            for j in range(_NL2):
                f = plsc.all_reduce_ffs(l2[j] == gmaxv)
                sbv = jnp.minimum(sbv, jnp.where(f < 16, f + j * 16, big))
            v1 = plsc.load_gather(l1, [sbv * 16 + iota])
            fb = plsc.all_reduce_ffs(v1 == gmaxv)
            blkv = sbv * 16 + fb
            v0r = plsc.load_gather(sv, [blkv * 16 + iota])
            v0 = jnp.where(v0r > _SCORE_THR, v0r, -1.0)
            fl = plsc.all_reduce_ffs(v0 == gmaxv)
            idxv = blkv * 16 + fl

            bx1 = plsc.load_gather(x1v, [idxv])
            by1 = plsc.load_gather(y1v, [idxv])
            bx2 = plsc.load_gather(x2v, [idxv])
            by2 = plsc.load_gather(y2v, [idxv])
            area_c = (jnp.maximum(bx2 - bx1, 0.0)
                      * jnp.maximum(by2 - by1, 0.0))

            def iou_blk(j, bacc):
                ox1 = kx1[pl.ds(j * 16, 16)]
                oy1 = ky1[pl.ds(j * 16, 16)]
                ox2 = kx2[pl.ds(j * 16, 16)]
                oy2 = ky2[pl.ds(j * 16, 16)]
                ix1 = jnp.maximum(bx1, ox1)
                iy1 = jnp.maximum(by1, oy1)
                ix2 = jnp.minimum(bx2, ox2)
                iy2 = jnp.minimum(by2, oy2)
                inter = (jnp.maximum(ix2 - ix1, 0.0)
                         * jnp.maximum(iy2 - iy1, 0.0))
                areak = karea[pl.ds(j * 16, 16)]
                iou = inter / (area_c + areak - inter + 1e-8)
                return bacc | ((iou > _NMS_THR) & ((iota + j * 16) < keptv))

            nblk = (kept + 15) >> 4
            badacc = lax.fori_loop(0, nblk, iou_blk,
                                   jnp.zeros((16,), jnp.bool_))
            sup = jnp.max(jnp.where(badacc, 1, 0))

            accmask = lane0 & jnp.broadcast_to(sup == 0, (16,))
            plsc.store_scatter(kx1, [keptv], bx1, mask=accmask)
            plsc.store_scatter(ky1, [keptv], by1, mask=accmask)
            plsc.store_scatter(kx2, [keptv], bx2, mask=accmask)
            plsc.store_scatter(ky2, [keptv], by2, mask=accmask)
            plsc.store_scatter(karea, [keptv], area_c, mask=accmask)
            plsc.store_scatter(kidx, [keptv], idxv, mask=accmask)
            plsc.store_scatter(kval, [keptv], gmaxv, mask=accmask)

            plsc.store_scatter(sv, [idxv], neg1, mask=lane0)
            m0 = jnp.max(jnp.where(iota == fl, -1.0, v0))
            r1 = jnp.max(jnp.where(iota == fb, -1.0, v1))
            l2ex = [jnp.where(iota + j * 16 == sbv, -1.0, l2[j])
                    for j in range(_NL2)]
            r2 = jnp.max(_tree_max(l2ex))
            m1 = jnp.maximum(r1, m0)
            gmax_new = jnp.maximum(r2, m1)
            plsc.store_scatter(l1, [blkv], jnp.broadcast_to(m0, (16,)),
                               mask=lane0)
            m1v = jnp.broadcast_to(m1, (16,))
            l2n = [jnp.where(iota + j * 16 == sbv, m1v, l2[j])
                   for j in range(_NL2)]
            kept_new = kept + jnp.where(sup == 0, 1, 0)
            return (kept_new, gmax_new, *l2n)

        fin = lax.while_loop(cond, body, (jnp.int32(0), gmax0, *l2))
        kept_f = fin[0]

        zeros16 = jnp.zeros((16,), jnp.float32)

        def zero_blk(b, c):
            for k in range(8):
                sv[pl.ds(b * 128 + k * 16, 16)] = zeros16
            return c

        lax.fori_loop(0, _N // 128, zero_blk, 0)
        for k in range(2):
            sv[pl.ds(19968 + k * 16, 16)] = zeros16

        for j in range(_KPAD // 16):
            mask = (iota + j * 16) < kept_f
            plsc.store_scatter(sv, [kidx[pl.ds(j * 16, 16)]],
                               kval[pl.ds(j * 16, 16)], mask=mask)
        pltpu.sync_copy(sv, out_hbm.at[pl.ds(wid * _N, _N)])


@jax.jit
def _nms_sc(coords_flat, scores_flat):
    mesh = plsc.VectorSubcoreMesh(core_axis_name="c", subcore_axis_name="s",
                                  num_cores=_NCORES, num_subcores=_NSUBCORES)
    run = pl.kernel(
        _sc_body,
        out_type=jax.ShapeDtypeStruct((_C * _N,), jnp.float32),
        mesh=mesh,
        compiler_params=pltpu.CompilerParams(needs_layout_passes=False),
        scratch_types=[
            pltpu.VMEM((_N,), jnp.float32),
            pltpu.VMEM((_N,), jnp.float32),
            pltpu.VMEM((_N,), jnp.float32),
            pltpu.VMEM((_N,), jnp.float32),
            pltpu.VMEM((_N,), jnp.float32),
            pltpu.VMEM((_L1,), jnp.float32),
            pltpu.VMEM((_NL2 * 16,), jnp.float32),
            pltpu.VMEM((_KPAD,), jnp.float32),
            pltpu.VMEM((_KPAD,), jnp.float32),
            pltpu.VMEM((_KPAD,), jnp.float32),
            pltpu.VMEM((_KPAD,), jnp.float32),
            pltpu.VMEM((_KPAD,), jnp.float32),
            pltpu.VMEM((_KPAD,), jnp.int32),
            pltpu.VMEM((_KPAD,), jnp.float32),
            pltpu.SemaphoreType.DMA,
            pltpu.SemaphoreType.DMA,
        ],
    )
    return run(coords_flat, scores_flat)


def kernel(boxes, classification):
    boxes0 = boxes[0]
    cls0 = classification[0]
    coords_flat = boxes0.T.reshape(-1)
    scores_flat = cls0.T.reshape(-1)
    selected = _nms_sc(coords_flat, scores_flat).reshape(_C, _N)
    detections = jnp.concatenate([boxes0, selected.T], axis=1)
    return detections[None, ...]

# --- scband reference (transcript-rebuilt; emitter-appended) ---
"""Pipeline reference for scband-non-maximum-suppression-35381940584565 (READ-ONLY COPY).

The authoritative reference and input builder live on the scoring server;
editing this copy changes nothing except your own understanding.
"""

import jax
import jax.numpy as jnp
import numpy as np
from jax import lax

N = 20000
C = 10
NMS_THRESHOLD = 0.5
SCORE_THRESHOLD = 0.05
MAX_BOXES = 100


def setup_inputs(seed: int = 0) -> dict:
    key = jax.random.key(seed)
    k1, k2 = jax.random.split(key)
    boxes = jax.random.uniform(k1, (1, N, 4), dtype=jnp.float32)
    classification = jax.random.uniform(k2, (1, N, C), dtype=jnp.float32)
    return {"boxes": boxes, "classification": classification}


def _pairwise_iou(box, boxes):
    # box: [4], boxes: [N, 4] in (x1, y1, x2, y2) convention
    x1 = jnp.maximum(box[0], boxes[:, 0])
    y1 = jnp.maximum(box[1], boxes[:, 1])
    x2 = jnp.minimum(box[2], boxes[:, 2])
    y2 = jnp.minimum(box[3], boxes[:, 3])
    inter = jnp.maximum(x2 - x1, 0.0) * jnp.maximum(y2 - y1, 0.0)
    area_b = jnp.maximum(box[2] - box[0], 0.0) * jnp.maximum(box[3] - box[1], 0.0)
    areas = jnp.maximum(boxes[:, 2] - boxes[:, 0], 0.0) * jnp.maximum(boxes[:, 3] - boxes[:, 1], 0.0)
    return inter / (area_b + areas - inter + 1e-8)


def _nms_forward(boxes, classification):
    boxes0 = boxes[0]            # [N, 4]
    cls0 = classification[0]     # [N, C]

    def nms_class(scores_c):
        # Per-class NMS, faithful to the original layer:
        # 1) drop scores <= score_threshold (mask to -inf so never selected)
        # 2) iterative greedy NMS up to max_boxes selections
        # 3) scatter surviving scores back into a zero vector of length N
        s0 = jnp.where(scores_c > SCORE_THRESHOLD, scores_c, -jnp.inf)
        out0 = jnp.zeros_like(scores_c)

        def step(carry, _):
            s, out = carry
            idx = jnp.argmax(s)
            keep = s[idx] > -jnp.inf
            box = boxes0[idx]
            ious = _pairwise_iou(box, boxes0)
            out = out.at[idx].set(jnp.where(keep, scores_c[idx], out[idx]))
            suppress = (ious > NMS_THRESHOLD) & keep
            s = jnp.where(suppress, -jnp.inf, s)
            s = s.at[idx].set(-jnp.inf)
            return (s, out), None

        (s_f, out_f), _ = lax.scan(step, (s0, out0), None, length=MAX_BOXES)
        return out_f

    selected = jax.vmap(nms_class, in_axes=1, out_axes=1)(cls0)  # [N, C]
    detections = jnp.concatenate([boxes0, selected], axis=1)     # [N, 4 + C]
    return detections[None, ...]                                 # [1, N, 4 + C]


def reference(boxes, classification):
    return _nms_forward(boxes, classification)

if __name__ == "__main__":
    import jax
    _d = setup_inputs()
    print(jax.jit(kernel)(*tuple(_d.values())))

</pallas_src>

<mosaic_0001>
#map = affine_map<(d0, d1) -> (0)>
module attributes {stable_mosaic.version = 14 : i64} {
  func.func @_sc_body(%arg0: i32, %arg1: i32, %arg2: memref<80000xf32, #tpu.memory_space<hbm>>, %arg3: memref<200000xf32, #tpu.memory_space<hbm>>, %arg4: memref<200000xf32, #tpu.memory_space<hbm>>, %arg5: memref<20000xf32, #tpu.memory_space<vmem>>, %arg6: memref<20000xf32, #tpu.memory_space<vmem>>, %arg7: memref<20000xf32, #tpu.memory_space<vmem>>, %arg8: memref<20000xf32, #tpu.memory_space<vmem>>, %arg9: memref<20000xf32, #tpu.memory_space<vmem>>, %arg10: memref<1264xf32, #tpu.memory_space<vmem>>, %arg11: memref<80xf32, #tpu.memory_space<vmem>>, %arg12: memref<112xf32, #tpu.memory_space<vmem>>, %arg13: memref<112xf32, #tpu.memory_space<vmem>>, %arg14: memref<112xf32, #tpu.memory_space<vmem>>, %arg15: memref<112xf32, #tpu.memory_space<vmem>>, %arg16: memref<112xf32, #tpu.memory_space<vmem>>, %arg17: memref<112xi32, #tpu.memory_space<vmem>>, %arg18: memref<112xf32, #tpu.memory_space<vmem>>, %arg19: memref<!tpu.dma_semaphore, #tpu.memory_space<semaphore_mem>>, %arg20: memref<!tpu.dma_semaphore, #tpu.memory_space<semaphore_mem>>) attributes {dimension_semantics = [#tpu.dimension_semantics<core_parallel>, #tpu.dimension_semantics<subcore_parallel>], iteration_bounds = array<i64: 1, 16>, scalar_prefetch = 0 : i64, scratch_operands = 16 : i64, tpu.core_type = #tpu.core_type<sc_vector_subcore>, window_params = [{transform_indices = #map}, {transform_indices = #map}, {transform_indices = #map}]} {
    %mul3A = arith.constant 16 : i32
    %mul3A_0 = arith.muli %arg0, %mul3A : i32
    %add3A = arith.addi %mul3A_0, %arg1 : i32
    %lt3A = arith.constant 10 : i32
    %lt3A_1 = arith.cmpi slt, %add3A, %lt3A : i32
    %convert_element_type3A = arith.extui %lt3A_1 : i1 to i32
    %cond3A = arith.constant 0 : i32
    %cond3A_2 = arith.cmpi ne, %convert_element_type3A, %cond3A : i32
    scf.if %cond3A_2 {
      %iota3A = tpu.iota {dimensions = array<i32: 0>} : vector<16xi32>
      %mul3A_3 = arith.constant 16 : i32
      %mul3A_4 = vector.broadcast %mul3A_3 : i32 to vector<16xi32>
      %mul3A_5 = arith.muli %iota3A, %mul3A_4 : vector<16xi32>
      %eq3A = arith.constant 0 : i32
      %eq3A_6 = vector.broadcast %eq3A : i32 to vector<16xi32>
      %eq3A_7 = arith.cmpi eq, %iota3A, %eq3A_6 : vector<16xi32>
      %broadcast_in_dim3A = arith.constant -1.000000e+00 : f32
      %broadcast_in_dim3A_8 = vector.broadcast %broadcast_in_dim3A : f32 to vector<16xf32>
      %mul3A_9 = arith.constant 20000 : i32
      %mul3A_10 = arith.muli %add3A, %mul3A_9 : i32
      %dma_start3A = tpu.memref_slice %arg3[%mul3A_10] : memref<200000xf32, #tpu.memory_space<hbm>> -> memref<20000xf32, #tpu.memory_space<hbm>>
      %dma_start3A_11 = tpu.memref_slice %arg3[%mul3A_10] : memref<200000xf32, #tpu.memory_space<hbm>> -> memref<20000xf32, #tpu.memory_space<hbm>>
      tpu.enqueue_dma source(%dma_start3A_11 : memref<20000xf32, #tpu.memory_space<hbm>>) target(%arg9 : memref<20000xf32, #tpu.memory_space<vmem>>) target_semaphore(%arg19 : memref<!tpu.dma_semaphore, #tpu.memory_space<semaphore_mem>>)
      %dma_start3A_12 = arith.constant 0 : i32
      %dma_start3A_13 = tpu.memref_slice %arg2[%dma_start3A_12] : memref<80000xf32, #tpu.memory_space<hbm>> -> memref<20000xf32, #tpu.memory_space<hbm>>
      %dma_start3A_14 = arith.constant 0 : i32
      %dma_start3A_15 = tpu.memref_slice %arg2[%dma_start3A_14] : memref<80000xf32, #tpu.memory_space<hbm>> -> memref<20000xf32, #tpu.memory_space<hbm>>
      tpu.enqueue_dma source(%dma_start3A_15 : memref<20000xf32, #tpu.memory_space<hbm>>) target(%arg5 : memref<20000xf32, #tpu.memory_space<vmem>>) target_semaphore(%arg20 : memref<!tpu.dma_semaphore, #tpu.memory_space<semaphore_mem>>)
      %dma_start3A_16 = arith.constant 20000 : i32
      %dma_start3A_17 = tpu.memref_slice %arg2[%dma_start3A_16] : memref<80000xf32, #tpu.memory_space<hbm>> -> memref<20000xf32, #tpu.memory_space<hbm>>
      %dma_start3A_18 = arith.constant 20000 : i32
      %dma_start3A_19 = tpu.memref_slice %arg2[%dma_start3A_18] : memref<80000xf32, #tpu.memory_space<hbm>> -> memref<20000xf32, #tpu.memory_space<hbm>>
      tpu.enqueue_dma source(%dma_start3A_19 : memref<20000xf32, #tpu.memory_space<hbm>>) target(%arg6 : memref<20000xf32, #tpu.memory_space<vmem>>) target_semaphore(%arg20 : memref<!tpu.dma_semaphore, #tpu.memory_space<semaphore_mem>>)
      %dma_start3A_20 = arith.constant 40000 : i32
      %dma_start3A_21 = tpu.memref_slice %arg2[%dma_start3A_20] : memref<80000xf32, #tpu.memory_space<hbm>> -> memref<20000xf32, #tpu.memory_space<hbm>>
      %dma_start3A_22 = arith.constant 40000 : i32
      %dma_start3A_23 = tpu.memref_slice %arg2[%dma_start3A_22] : memref<80000xf32, #tpu.memory_space<hbm>> -> memref<20000xf32, #tpu.memory_space<hbm>>
      tpu.enqueue_dma source(%dma_start3A_23 : memref<20000xf32, #tpu.memory_space<hbm>>) target(%arg7 : memref<20000xf32, #tpu.memory_space<vmem>>) target_semaphore(%arg20 : memref<!tpu.dma_semaphore, #tpu.memory_space<semaphore_mem>>)
      %dma_start3A_24 = arith.constant 60000 : i32
      %dma_start3A_25 = tpu.memref_slice %arg2[%dma_start3A_24] : memref<80000xf32, #tpu.memory_space<hbm>> -> memref<20000xf32, #tpu.memory_space<hbm>>
      %dma_start3A_26 = arith.constant 60000 : i32
      %dma_start3A_27 = tpu.memref_slice %arg2[%dma_start3A_26] : memref<80000xf32, #tpu.memory_space<hbm>> -> memref<20000xf32, #tpu.memory_space<hbm>>
      tpu.enqueue_dma source(%dma_start3A_27 : memref<20000xf32, #tpu.memory_space<hbm>>) target(%arg8 : memref<20000xf32, #tpu.memory_space<vmem>>) target_semaphore(%arg20 : memref<!tpu.dma_semaphore, #tpu.memory_space<semaphore_mem>>)
      %dma_wait3A = tpu.memref_slice %arg3[%mul3A_10] : memref<200000xf32, #tpu.memory_space<hbm>> -> memref<20000xf32, #tpu.memory_space<hbm>>
      %dma_wait3A_28 = tpu.memref_slice %arg3[%mul3A_10] : memref<200000xf32, #tpu.memory_space<hbm>> -> memref<20000xf32, #tpu.memory_space<hbm>>
      tpu.wait_dma2 semaphore(%arg19 : memref<!tpu.dma_semaphore, #tpu.memory_space<semaphore_mem>>) src(%dma_wait3A_28 : memref<20000xf32, #tpu.memory_space<hbm>>) dst(%arg9 : memref<20000xf32, #tpu.memory_space<vmem>>)
      %broadcast_in_dim3A_29 = arith.constant 0 : i32
      %broadcast_in_dim3A_30 = vector.broadcast %broadcast_in_dim3A_29 : i32 to vector<16xi32>
      %swap3A = arith.constant 0 : index
      %swap3A_31 = tpu.vector_load %arg17[%swap3A] {strides = array<i32>} : memref<112xi32, #tpu.memory_space<vmem>>, vector<16xi32>,
      tpu.vector_store %arg17[%swap3A], %broadcast_in_dim3A_30 {strides = array<i32>} : memref<112xi32, #tpu.memory_space<vmem>>, vector<16xi32>,
      %broadcast_in_dim3A_32 = arith.constant 0 : i32
      %broadcast_in_dim3A_33 = vector.broadcast %broadcast_in_dim3A_32 : i32 to vector<16xi32>
      %swap3A_34 = arith.constant 16 : index
      %swap3A_35 = tpu.vector_load %arg17[%swap3A_34] {strides = array<i32>} : memref<112xi32, #tpu.memory_space<vmem>>, vector<16xi32>,
      tpu.vector_store %arg17[%swap3A_34], %broadcast_in_dim3A_33 {strides = array<i32>} : memref<112xi32, #tpu.memory_space<vmem>>, vector<16xi32>,
      %broadcast_in_dim3A_36 = arith.constant 0 : i32
      %broadcast_in_dim3A_37 = vector.broadcast %broadcast_in_dim3A_36 : i32 to vector<16xi32>
      %swap3A_38 = arith.constant 32 : index
      %swap3A_39 = tpu.vector_load %arg17[%swap3A_38] {strides = array<i32>} : memref<112xi32, #tpu.memory_space<vmem>>, vector<16xi32>,
      tpu.vector_store %arg17[%swap3A_38], %broadcast_in_dim3A_37 {strides = array<i32>} : memref<112xi32, #tpu.memory_space<vmem>>, vector<16xi32>,
      %broadcast_in_dim3A_40 = arith.constant 0 : i32
      %broadcast_in_dim3A_41 = vector.broadcast %broadcast_in_dim3A_40 : i32 to vector<16xi32>
      %swap3A_42 = arith.constant 48 : index
      %swap3A_43 = tpu.vector_load %arg17[%swap3A_42] {strides = array<i32>} : memref<112xi32, #tpu.memory_space<vmem>>, vector<16xi32>,
      tpu.vector_store %arg17[%swap3A_42], %broadcast_in_dim3A_41 {strides = array<i32>} : memref<112xi32, #tpu.memory_space<vmem>>, vector<16xi32>,
      %broadcast_in_dim3A_44 = arith.constant 0 : i32
      %broadcast_in_dim3A_45 = vector.broadcast %broadcast_in_dim3A_44 : i32 to vector<16xi32>
      %swap3A_46 = arith.constant 64 : index
      %swap3A_47 = tpu.vector_load %arg17[%swap3A_46] {strides = array<i32>} : memref<112xi32, #tpu.memory_space<vmem>>, vector<16xi32>,
      tpu.vector_store %arg17[%swap3A_46], %broadcast_in_dim3A_45 {strides = array<i32>} : memref<112xi32, #tpu.memory_space<vmem>>, vector<16xi32>,
      %broadcast_in_dim3A_48 = arith.constant 0 : i32
      %broadcast_in_dim3A_49 = vector.broadcast %broadcast_in_dim3A_48 : i32 to vector<16xi32>
      %swap3A_50 = arith.constant 80 : index
      %swap3A_51 = tpu.vector_load %arg17[%swap3A_50] {strides = array<i32>} : memref<112xi32, #tpu.memory_space<vmem>>, vector<16xi32>,
      tpu.vector_store %arg17[%swap3A_50], %broadcast_in_dim3A_49 {strides = array<i32>} : memref<112xi32, #tpu.memory_space<vmem>>, vector<16xi32>,
      %broadcast_in_dim3A_52 = arith.constant 0 : i32
      %broadcast_in_dim3A_53 = vector.broadcast %broadcast_in_dim3A_52 : i32 to vector<16xi32>
      %swap3A_54 = arith.constant 96 : index
      %swap3A_55 = tpu.vector_load %arg17[%swap3A_54] {strides = array<i32>} : memref<112xi32, #tpu.memory_space<vmem>>, vector<16xi32>,
      tpu.vector_store %arg17[%swap3A_54], %broadcast_in_dim3A_53 {strides = array<i32>} : memref<112xi32, #tpu.memory_space<vmem>>, vector<16xi32>,
      %scan3A = arith.constant 0 : i32
      %scan3A_56 = arith.constant 0 : i32
      %scan3A_57 = arith.constant 78 : i32
      %scan3A_58 = arith.addi %scan3A_56, %scan3A_57 : i32
      %scan3A_59 = arith.constant 1 : i32
      scf.for %scan3A_508 = %scan3A_56 to %scan3A_58 step %scan3A_59  : i32 {
        %mul3A_509 = arith.constant 256 : i32
        %mul3A_510 = arith.muli %scan3A_508, %mul3A_509 : i32
        %add3A_511 = vector.broadcast %mul3A_510 : i32 to vector<16xi32>
        %add3A_512 = arith.addi %add3A_511, %mul3A_5 : vector<16xi32>
        %add3A_513 = arith.constant 0 : i32
        %add3A_514 = vector.broadcast %add3A_513 : i32 to vector<16xi32>
        %add3A_515 = arith.addi %add3A_512, %add3A_514 : vector<16xi32>
        %gather3A_516 = tpu.vector_load_idx %arg9[%add3A_515] : memref<20000xf32, #tpu.memory_space<vmem>>[vector<16xi32>], vector<16xf32>,
        %gt3A_517 = arith.constant 5.000000e-02 : f32
        %gt3A_518 = vector.broadcast %gt3A_517 : f32 to vector<16xf32>
        %gt3A_519 = arith.cmpf ogt, %gather3A_516, %gt3A_518 : vector<16xf32>
        %jit3A_520 = arith.constant -1.000000e+00 : f32
        %broadcast_in_dim3A_521 = vector.broadcast %jit3A_520 : f32 to vector<16xf32>
        %select_n3A_522 = arith.select %gt3A_519, %gather3A_516, %broadcast_in_dim3A_521 : vector<16xi1>, vector<16xf32>
        %add3A_523 = vector.broadcast %mul3A_510 : i32 to vector<16xi32>
        %add3A_524 = arith.addi %add3A_523, %mul3A_5 : vector<16xi32>
        %add3A_525 = arith.constant 1 : i32
        %add3A_526 = vector.broadcast %add3A_525 : i32 to vector<16xi32>
        %add3A_527 = arith.addi %add3A_524, %add3A_526 : vector<16xi32>
        %gather3A_528 = tpu.vector_load_idx %arg9[%add3A_527] : memref<20000xf32, #tpu.memory_space<vmem>>[vector<16xi32>], vector<16xf32>,
        %gt3A_529 = arith.constant 5.000000e-02 : f32
        %gt3A_530 = vector.broadcast %gt3A_529 : f32 to vector<16xf32>
        %gt3A_531 = arith.cmpf ogt, %gather3A_528, %gt3A_530 : vector<16xf32>
        %jit3A_532 = arith.constant -1.000000e+00 : f32
        %broadcast_in_dim3A_533 = vector.broadcast %jit3A_532 : f32 to vector<16xf32>
        %select_n3A_534 = arith.select %gt3A_531, %gather3A_528, %broadcast_in_dim3A_533 : vector<16xi1>, vector<16xf32>
        %add3A_535 = vector.broadcast %mul3A_510 : i32 to vector<16xi32>
        %add3A_536 = arith.addi %add3A_535, %mul3A_5 : vector<16xi32>
        %add3A_537 = arith.constant 2 : i32
        %add3A_538 = vector.broadcast %add3A_537 : i32 to vector<16xi32>
        %add3A_539 = arith.addi %add3A_536, %add3A_538 : vector<16xi32>
        %gather3A_540 = tpu.vector_load_idx %arg9[%add3A_539] : memref<20000xf32, #tpu.memory_space<vmem>>[vector<16xi32>], vector<16xf32>,
        %gt3A_541 = arith.constant 5.000000e-02 : f32
        %gt3A_542 = vector.broadcast %gt3A_541 : f32 to vector<16xf32>
        %gt3A_543 = arith.cmpf ogt, %gather3A_540, %gt3A_542 : vector<16xf32>
        %jit3A_544 = arith.constant -1.000000e+00 : f32
        %broadcast_in_dim3A_545 = vector.broadcast %jit3A_544 : f32 to vector<16xf32>
        %select_n3A_546 = arith.select %gt3A_543, %gather3A_540, %broadcast_in_dim3A_545 : vector<16xi1>, vector<16xf32>
        %add3A_547 = vector.broadcast %mul3A_510 : i32 to vector<16xi32>
        %add3A_548 = arith.addi %add3A_547, %mul3A_5 : vector<16xi32>
        %add3A_549 = arith.constant 3 : i32
        %add3A_550 = vector.broadcast %add3A_549 : i32 to vector<16xi32>
        %add3A_551 = arith.addi %add3A_548, %add3A_550 : vector<16xi32>
        %gather3A_552 = tpu.vector_load_idx %arg9[%add3A_551] : memref<20000xf32, #tpu.memory_space<vmem>>[vector<16xi32>], vector<16xf32>,
        %gt3A_553 = arith.constant 5.000000e-02 : f32
        %gt3A_554 = vector.broadcast %gt3A_553 : f32 to vector<16xf32>
        %gt3A_555 = arith.cmpf ogt, %gather3A_552, %gt3A_554 : vector<16xf32>
        %jit3A_556 = arith.constant -1.000000e+00 : f32
        %broadcast_in_dim3A_557 = vector.broadcast %jit3A_556 : f32 to vector<16xf32>
        %select_n3A_558 = arith.select %gt3A_555, %gather3A_552, %broadcast_in_dim3A_557 : vector<16xi1>, vector<16xf32>
        %add3A_559 = vector.broadcast %mul3A_510 : i32 to vector<16xi32>
        %add3A_560 = arith.addi %add3A_559, %mul3A_5 : vector<16xi32>
        %add3A_561 = arith.constant 4 : i32
        %add3A_562 = vector.broadcast %add3A_561 : i32 to vector<16xi32>
        %add3A_563 = arith.addi %add3A_560, %add3A_562 : vector<16xi32>
        %gather3A_564 = tpu.vector_load_idx %arg9[%add3A_563] : memref<20000xf32, #tpu.memory_space<vmem>>[vector<16xi32>], vector<16xf32>,
        %gt3A_565 = arith.constant 5.000000e-02 : f32
        %gt3A_566 = vector.broadcast %gt3A_565 : f32 to vector<16xf32>
        %gt3A_567 = arith.cmpf ogt, %gather3A_564, %gt3A_566 : vector<16xf32>
        %jit3A_568 = arith.constant -1.000000e+00 : f32
        %broadcast_in_dim3A_569 = vector.broadcast %jit3A_568 : f32 to vector<16xf32>
        %select_n3A_570 = arith.select %gt3A_567, %gather3A_564, %broadcast_in_dim3A_569 : vector<16xi1>, vector<16xf32>
        %add3A_571 = vector.broadcast %mul3A_510 : i32 to vector<16xi32>
        %add3A_572 = arith.addi %add3A_571, %mul3A_5 : vector<16xi32>
        %add3A_573 = arith.constant 5 : i32
        %add3A_574 = vector.broadcast %add3A_573 : i32 to vector<16xi32>
        %add3A_575 = arith.addi %add3A_572, %add3A_574 : vector<16xi32>
        %gather3A_576 = tpu.vector_load_idx %arg9[%add3A_575] : memref<20000xf32, #tpu.memory_space<vmem>>[vector<16xi32>], vector<16xf32>,
        %gt3A_577 = arith.constant 5.000000e-02 : f32
        %gt3A_578 = vector.broadcast %gt3A_577 : f32 to vector<16xf32>
        %gt3A_579 = arith.cmpf ogt, %gather3A_576, %gt3A_578 : vector<16xf32>
        %jit3A_580 = arith.constant -1.000000e+00 : f32
        %broadcast_in_dim3A_581 = vector.broadcast %jit3A_580 : f32 to vector<16xf32>
        %select_n3A_582 = arith.select %gt3A_579, %gather3A_576, %broadcast_in_dim3A_581 : vector<16xi1>, vector<16xf32>
        %add3A_583 = vector.broadcast %mul3A_510 : i32 to vector<16xi32>
        %add3A_584 = arith.addi %add3A_583, %mul3A_5 : vector<16xi32>
        %add3A_585 = arith.constant 6 : i32
        %add3A_586 = vector.broadcast %add3A_585 : i32 to vector<16xi32>
        %add3A_587 = arith.addi %add3A_584, %add3A_586 : vector<16xi32>
        %gather3A_588 = tpu.vector_load_idx %arg9[%add3A_587] : memref<20000xf32, #tpu.memory_space<vmem>>[vector<16xi32>], vector<16xf32>,
        %gt3A_589 = arith.constant 5.000000e-02 : f32
        %gt3A_590 = vector.broadcast %gt3A_589 : f32 to vector<16xf32>
        %gt3A_591 = arith.cmpf ogt, %gather3A_588, %gt3A_590 : vector<16xf32>
        %jit3A_592 = arith.constant -1.000000e+00 : f32
        %broadcast_in_dim3A_593 = vector.broadcast %jit3A_592 : f32 to vector<16xf32>
        %select_n3A_594 = arith.select %gt3A_591, %gather3A_588, %broadcast_in_dim3A_593 : vector<16xi1>, vector<16xf32>
        %add3A_595 = vector.broadcast %mul3A_510 : i32 to vector<16xi32>
        %add3A_596 = arith.addi %add3A_595, %mul3A_5 : vector<16xi32>
        %add3A_597 = arith.constant 7 : i32
        %add3A_598 = vector.broadcast %add3A_597 : i32 to vector<16xi32>
        %add3A_599 = arith.addi %add3A_596, %add3A_598 : vector<16xi32>
        %gather3A_600 = tpu.vector_load_idx %arg9[%add3A_599] : memref<20000xf32, #tpu.memory_space<vmem>>[vector<16xi32>], vector<16xf32>,
        %gt3A_601 = arith.constant 5.000000e-02 : f32
        %gt3A_602 = vector.broadcast %gt3A_601 : f32 to vector<16xf32>
        %gt3A_603 = arith.cmpf ogt, %gather3A_600, %gt3A_602 : vector<16xf32>
        %jit3A_604 = arith.constant -1.000000e+00 : f32
        %broadcast_in_dim3A_605 = vector.broadcast %jit3A_604 : f32 to vector<16xf32>
        %select_n3A_606 = arith.select %gt3A_603, %gather3A_600, %broadcast_in_dim3A_605 : vector<16xi1>, vector<16xf32>
        %add3A_607 = vector.broadcast %mul3A_510 : i32 to vector<16xi32>
        %add3A_608 = arith.addi %add3A_607, %mul3A_5 : vector<16xi32>
        %add3A_609 = arith.constant 8 : i32
        %add3A_610 = vector.broadcast %add3A_609 : i32 to vector<16xi32>
        %add3A_611 = arith.addi %add3A_608, %add3A_610 : vector<16xi32>
        %gather3A_612 = tpu.vector_load_idx %arg9[%add3A_611] : memref<20000xf32, #tpu.memory_space<vmem>>[vector<16xi32>], vector<16xf32>,
        %gt3A_613 = arith.constant 5.000000e-02 : f32
        %gt3A_614 = vector.broadcast %gt3A_613 : f32 to vector<16xf32>
        %gt3A_615 = arith.cmpf ogt, %gather3A_612, %gt3A_614 : vector<16xf32>
        %jit3A_616 = arith.constant -1.000000e+00 : f32
        %broadcast_in_dim3A_617 = vector.broadcast %jit3A_616 : f32 to vector<16xf32>
        %select_n3A_618 = arith.select %gt3A_615, %gather3A_612, %broadcast_in_dim3A_617 : vector<16xi1>, vector<16xf32>
        %add3A_619 = vector.broadcast %mul3A_510 : i32 to vector<16xi32>
        %add3A_620 = arith.addi %add3A_619, %mul3A_5 : vector<16xi32>
        %add3A_621 = arith.constant 9 : i32
        %add3A_622 = vector.broadcast %add3A_621 : i32 to vector<16xi32>
        %add3A_623 = arith.addi %add3A_620, %add3A_622 : vector<16xi32>
        %gather3A_624 = tpu.vector_load_idx %arg9[%add3A_623] : memref<20000xf32, #tpu.memory_space<vmem>>[vector<16xi32>], vector<16xf32>,
        %gt3A_625 = arith.constant 5.000000e-02 : f32
        %gt3A_626 = vector.broadcast %gt3A_625 : f32 to vector<16xf32>
        %gt3A_627 = arith.cmpf ogt, %gather3A_624, %gt3A_626 : vector<16xf32>
        %jit3A_628 = arith.constant -1.000000e+00 : f32
        %broadcast_in_dim3A_629 = vector.broadcast %jit3A_628 : f32 to vector<16xf32>
        %select_n3A_630 = arith.select %gt3A_627, %gather3A_624, %broadcast_in_dim3A_629 : vector<16xi1>, vector<16xf32>
        %add3A_631 = vector.broadcast %mul3A_510 : i32 to vector<16xi32>
        %add3A_632 = arith.addi %add3A_631, %mul3A_5 : vector<16xi32>
        %add3A_633 = arith.constant 10 : i32
        %add3A_634 = vector.broadcast %add3A_633 : i32 to vector<16xi32>
        %add3A_635 = arith.addi %add3A_632, %add3A_634 : vector<16xi32>
        %gather3A_636 = tpu.vector_load_idx %arg9[%add3A_635] : memref<20000xf32, #tpu.memory_space<vmem>>[vector<16xi32>], vector<16xf32>,
        %gt3A_637 = arith.constant 5.000000e-02 : f32
        %gt3A_638 = vector.broadcast %gt3A_637 : f32 to vector<16xf32>
        %gt3A_639 = arith.cmpf ogt, %gather3A_636, %gt3A_638 : vector<16xf32>
        %jit3A_640 = arith.constant -1.000000e+00 : f32
        %broadcast_in_dim3A_641 = vector.broadcast %jit3A_640 : f32 to vector<16xf32>
        %select_n3A_642 = arith.select %gt3A_639, %gather3A_636, %broadcast_in_dim3A_641 : vector<16xi1>, vector<16xf32>
        %add3A_643 = vector.broadcast %mul3A_510 : i32 to vector<16xi32>
        %add3A_644 = arith.addi %add3A_643, %mul3A_5 : vector<16xi32>
        %add3A_645 = arith.constant 11 : i32
        %add3A_646 = vector.broadcast %add3A_645 : i32 to vector<16xi32>
        %add3A_647 = arith.addi %add3A_644, %add3A_646 : vector<16xi32>
        %gather3A_648 = tpu.vector_load_idx %arg9[%add3A_647] : memref<20000xf32, #tpu.memory_space<vmem>>[vector<16xi32>], vector<16xf32>,
        %gt3A_649 = arith.constant 5.000000e-02 : f32
        %gt3A_650 = vector.broadcast %gt3A_649 : f32 to vector<16xf32>
        %gt3A_651 = arith.cmpf ogt, %gather3A_648, %gt3A_650 : vector<16xf32>
        %jit3A_652 = arith.constant -1.000000e+00 : f32
        %broadcast_in_dim3A_653 = vector.broadcast %jit3A_652 : f32 to vector<16xf32>
        %select_n3A_654 = arith.select %gt3A_651, %gather3A_648, %broadcast_in_dim3A_653 : vector<16xi1>, vector<16xf32>
        %add3A_655 = vector.broadcast %mul3A_510 : i32 to vector<16xi32>
        %add3A_656 = arith.addi %add3A_655, %mul3A_5 : vector<16xi32>
        %add3A_657 = arith.constant 12 : i32
        %add3A_658 = vector.broadcast %add3A_657 : i32 to vector<16xi32>
        %add3A_659 = arith.addi %add3A_656, %add3A_658 : vector<16xi32>
        %gather3A_660 = tpu.vector_load_idx %arg9[%add3A_659] : memref<20000xf32, #tpu.memory_space<vmem>>[vector<16xi32>], vector<16xf32>,
        %gt3A_661 = arith.constant 5.000000e-02 : f32
        %gt3A_662 = vector.broadcast %gt3A_661 : f32 to vector<16xf32>
        %gt3A_663 = arith.cmpf ogt, %gather3A_660, %gt3A_662 : vector<16xf32>
        %jit3A_664 = arith.constant -1.000000e+00 : f32
        %broadcast_in_dim3A_665 = vector.broadcast %jit3A_664 : f32 to vector<16xf32>
        %select_n3A_666 = arith.select %gt3A_663, %gather3A_660, %broadcast_in_dim3A_665 : vector<16xi1>, vector<16xf32>
        %add3A_667 = vector.broadcast %mul3A_510 : i32 to vector<16xi32>
        %add3A_668 = arith.addi %add3A_667, %mul3A_5 : vector<16xi32>
        %add3A_669 = arith.constant 13 : i32
        %add3A_670 = vector.broadcast %add3A_669 : i32 to vector<16xi32>
        %add3A_671 = arith.addi %add3A_668, %add3A_670 : vector<16xi32>
        %gather3A_672 = tpu.vector_load_idx %arg9[%add3A_671] : memref<20000xf32, #tpu.memory_space<vmem>>[vector<16xi32>], vector<16xf32>,
        %gt3A_673 = arith.constant 5.000000e-02 : f32
        %gt3A_674 = vector.broadcast %gt3A_673 : f32 to vector<16xf32>
        %gt3A_675 = arith.cmpf ogt, %gather3A_672, %gt3A_674 : vector<16xf32>
        %jit3A_676 = arith.constant -1.000000e+00 : f32
        %broadcast_in_dim3A_677 = vector.broadcast %jit3A_676 : f32 to vector<16xf32>
        %select_n3A_678 = arith.select %gt3A_675, %gather3A_672, %broadcast_in_dim3A_677 : vector<16xi1>, vector<16xf32>
        %add3A_679 = vector.broadcast %mul3A_510 : i32 to vector<16xi32>
        %add3A_680 = arith.addi %add3A_679, %mul3A_5 : vector<16xi32>
        %add3A_681 = arith.constant 14 : i32
        %add3A_682 = vector.broadcast %add3A_681 : i32 to vector<16xi32>
        %add3A_683 = arith.addi %add3A_680, %add3A_682 : vector<16xi32>
        %gather3A_684 = tpu.vector_load_idx %arg9[%add3A_683] : memref<20000xf32, #tpu.memory_space<vmem>>[vector<16xi32>], vector<16xf32>,
        %gt3A_685 = arith.constant 5.000000e-02 : f32
        %gt3A_686 = vector.broadcast %gt3A_685 : f32 to vector<16xf32>
        %gt3A_687 = arith.cmpf ogt, %gather3A_684, %gt3A_686 : vector<16xf32>
        %jit3A_688 = arith.constant -1.000000e+00 : f32
        %broadcast_in_dim3A_689 = vector.broadcast %jit3A_688 : f32 to vector<16xf32>
        %select_n3A_690 = arith.select %gt3A_687, %gather3A_684, %broadcast_in_dim3A_689 : vector<16xi1>, vector<16xf32>
        %add3A_691 = vector.broadcast %mul3A_510 : i32 to vector<16xi32>
        %add3A_692 = arith.addi %add3A_691, %mul3A_5 : vector<16xi32>
        %add3A_693 = arith.constant 15 : i32
        %add3A_694 = vector.broadcast %add3A_693 : i32 to vector<16xi32>
        %add3A_695 = arith.addi %add3A_692, %add3A_694 : vector<16xi32>
        %gather3A_696 = tpu.vector_load_idx %arg9[%add3A_695] : memref<20000xf32, #tpu.memory_space<vmem>>[vector<16xi32>], vector<16xf32>,
        %gt3A_697 = arith.constant 5.000000e-02 : f32
        %gt3A_698 = vector.broadcast %gt3A_697 : f32 to vector<16xf32>
        %gt3A_699 = arith.cmpf ogt, %gather3A_696, %gt3A_698 : vector<16xf32>
        %jit3A_700 = arith.constant -1.000000e+00 : f32
        %broadcast_in_dim3A_701 = vector.broadcast %jit3A_700 : f32 to vector<16xf32>
        %select_n3A_702 = arith.select %gt3A_699, %gather3A_696, %broadcast_in_dim3A_701 : vector<16xi1>, vector<16xf32>
        %max3A_703 = arith.maximumf %select_n3A_522, %select_n3A_534 : vector<16xf32>
        %max3A_704 = arith.maximumf %select_n3A_546, %select_n3A_558 : vector<16xf32>
        %max3A_705 = arith.maximumf %select_n3A_570, %select_n3A_582 : vector<16xf32>
        %max3A_706 = arith.maximumf %select_n3A_594, %select_n3A_606 : vector<16xf32>
        %max3A_707 = arith.maximumf %select_n3A_618, %select_n3A_630 : vector<16xf32>
        %max3A_708 = arith.maximumf %select_n3A_642, %select_n3A_654 : vector<16xf32>
        %max3A_709 = arith.maximumf %select_n3A_666, %select_n3A_678 : vector<16xf32>
        %max3A_710 = arith.maximumf %select_n3A_690, %select_n3A_702 : vector<16xf32>
        %max3A_711 = arith.maximumf %max3A_703, %max3A_704 : vector<16xf32>
        %max3A_712 = arith.maximumf %max3A_705, %max3A_706 : vector<16xf32>
        %max3A_713 = arith.maximumf %max3A_707, %max3A_708 : vector<16xf32>
        %max3A_714 = arith.maximumf %max3A_709, %max3A_710 : vector<16xf32>
        %max3A_715 = arith.maximumf %max3A_711, %max3A_712 : vector<16xf32>
        %max3A_716 = arith.maximumf %max3A_713, %max3A_714 : vector<16xf32>
        %max3A_717 = arith.maximumf %max3A_715, %max3A_716 : vector<16xf32>
        %mul3A_718 = arith.constant 16 : i32
        %mul3A_719 = arith.muli %scan3A_508, %mul3A_718 : i32
        %swap3A_720 = arith.index_cast %mul3A_719 : i32 to index
        %swap3A_721 = tpu.vector_load %arg10[%swap3A_720] {strides = array<i32>} : memref<1264xf32, #tpu.memory_space<vmem>>, vector<16xf32>,
        tpu.vector_store %arg10[%swap3A_720], %max3A_717 {strides = array<i32>} : memref<1264xf32, #tpu.memory_space<vmem>>, vector<16xf32>,
      }
      %scan3A_60 = arith.constant 78 : i32
      %add3A_61 = arith.constant 19968 : i32
      %add3A_62 = vector.broadcast %add3A_61 : i32 to vector<16xi32>
      %add3A_63 = arith.addi %add3A_62, %mul3A_5 : vector<16xi32>
      %add3A_64 = arith.constant 0 : i32
      %add3A_65 = vector.broadcast %add3A_64 : i32 to vector<16xi32>
      %add3A_66 = arith.addi %add3A_63, %add3A_65 : vector<16xi32>
      %min3A = arith.constant 19999 : i32
      %min3A_67 = vector.broadcast %min3A : i32 to vector<16xi32>
      %min3A_68 = arith.minsi %add3A_66, %min3A_67 : vector<16xi32>
      %gather3A = tpu.vector_load_idx %arg9[%min3A_68] : memref<20000xf32, #tpu.memory_space<vmem>>[vector<16xi32>], vector<16xf32>,
      %gt3A = arith.constant 5.000000e-02 : f32
      %gt3A_69 = vector.broadcast %gt3A : f32 to vector<16xf32>
      %gt3A_70 = arith.cmpf ogt, %gather3A, %gt3A_69 : vector<16xf32>
      %lt3A_71 = arith.constant 20000 : i32
      %lt3A_72 = vector.broadcast %lt3A_71 : i32 to vector<16xi32>
      %lt3A_73 = arith.cmpi slt, %add3A_66, %lt3A_72 : vector<16xi32>
      %and3A = arith.andi %gt3A_70, %lt3A_73 : vector<16xi1>
      %jit3A = arith.constant -1.000000e+00 : f32
      %broadcast_in_dim3A_74 = vector.broadcast %jit3A : f32 to vector<16xf32>
      %select_n3A = arith.select %and3A, %gather3A, %broadcast_in_dim3A_74 : vector<16xi1>, vector<16xf32>
      %add3A_75 = arith.constant 19968 : i32
      %add3A_76 = vector.broadcast %add3A_75 : i32 to vector<16xi32>
      %add3A_77 = arith.addi %add3A_76, %mul3A_5 : vector<16xi32>
      %add3A_78 = arith.constant 1 : i32
      %add3A_79 = vector.broadcast %add3A_78 : i32 to vector<16xi32>
      %add3A_80 = arith.addi %add3A_77, %add3A_79 : vector<16xi32>
      %min3A_81 = arith.constant 19999 : i32
      %min3A_82 = vector.broadcast %min3A_81 : i32 to vector<16xi32>
      %min3A_83 = arith.minsi %add3A_80, %min3A_82 : vector<16xi32>
      %gather3A_84 = tpu.vector_load_idx %arg9[%min3A_83] : memref<20000xf32, #tpu.memory_space<vmem>>[vector<16xi32>], vector<16xf32>,
      %gt3A_85 = arith.constant 5.000000e-02 : f32
      %gt3A_86 = vector.broadcast %gt3A_85 : f32 to vector<16xf32>
      %gt3A_87 = arith.cmpf ogt, %gather3A_84, %gt3A_86 : vector<16xf32>
      %lt3A_88 = arith.constant 20000 : i32
      %lt3A_89 = vector.broadcast %lt3A_88 : i32 to vector<16xi32>
      %lt3A_90 = arith.cmpi slt, %add3A_80, %lt3A_89 : vector<16xi32>
      %and3A_91 = arith.andi %gt3A_87, %lt3A_90 : vector<16xi1>
      %jit3A_92 = arith.constant -1.000000e+00 : f32
      %broadcast_in_dim3A_93 = vector.broadcast %jit3A_92 : f32 to vector<16xf32>
      %select_n3A_94 = arith.select %and3A_91, %gather3A_84, %broadcast_in_dim3A_93 : vector<16xi1>, vector<16xf32>
      %add3A_95 = arith.constant 19968 : i32
      %add3A_96 = vector.broadcast %add3A_95 : i32 to vector<16xi32>
      %add3A_97 = arith.addi %add3A_96, %mul3A_5 : vector<16xi32>
      %add3A_98 = arith.constant 2 : i32
      %add3A_99 = vector.broadcast %add3A_98 : i32 to vector<16xi32>
      %add3A_100 = arith.addi %add3A_97, %add3A_99 : vector<16xi32>
      %min3A_101 = arith.constant 19999 : i32
      %min3A_102 = vector.broadcast %min3A_101 : i32 to vector<16xi32>
      %min3A_103 = arith.minsi %add3A_100, %min3A_102 : vector<16xi32>
      %gather3A_104 = tpu.vector_load_idx %arg9[%min3A_103] : memref<20000xf32, #tpu.memory_space<vmem>>[vector<16xi32>], vector<16xf32>,
      %gt3A_105 = arith.constant 5.000000e-02 : f32
      %gt3A_106 = vector.broadcast %gt3A_105 : f32 to vector<16xf32>
      %gt3A_107 = arith.cmpf ogt, %gather3A_104, %gt3A_106 : vector<16xf32>
      %lt3A_108 = arith.constant 20000 : i32
      %lt3A_109 = vector.broadcast %lt3A_108 : i32 to vector<16xi32>
      %lt3A_110 = arith.cmpi slt, %add3A_100, %lt3A_109 : vector<16xi32>
      %and3A_111 = arith.andi %gt3A_107, %lt3A_110 : vector<16xi1>
      %jit3A_112 = arith.constant -1.000000e+00 : f32
      %broadcast_in_dim3A_113 = vector.broadcast %jit3A_112 : f32 to vector<16xf32>
      %select_n3A_114 = arith.select %and3A_111, %gather3A_104, %broadcast_in_dim3A_113 : vector<16xi1>, vector<16xf32>
      %add3A_115 = arith.constant 19968 : i32
      %add3A_116 = vector.broadcast %add3A_115 : i32 to vector<16xi32>
      %add3A_117 = arith.addi %add3A_116, %mul3A_5 : vector<16xi32>
      %add3A_118 = arith.constant 3 : i32
      %add3A_119 = vector.broadcast %add3A_118 : i32 to vector<16xi32>
      %add3A_120 = arith.addi %add3A_117, %add3A_119 : vector<16xi32>
      %min3A_121 = arith.constant 19999 : i32
      %min3A_122 = vector.broadcast %min3A_121 : i32 to vector<16xi32>
      %min3A_123 = arith.minsi %add3A_120, %min3A_122 : vector<16xi32>
      %gather3A_124 = tpu.vector_load_idx %arg9[%min3A_123] : memref<20000xf32, #tpu.memory_space<vmem>>[vector<16xi32>], vector<16xf32>,
      %gt3A_125 = arith.constant 5.000000e-02 : f32
      %gt3A_126 = vector.broadcast %gt3A_125 : f32 to vector<16xf32>
      %gt3A_127 = arith.cmpf ogt, %gather3A_124, %gt3A_126 : vector<16xf32>
      %lt3A_128 = arith.constant 20000 : i32
      %lt3A_129 = vector.broadcast %lt3A_128 : i32 to vector<16xi32>
      %lt3A_130 = arith.cmpi slt, %add3A_120, %lt3A_129 : vector<16xi32>
      %and3A_131 = arith.andi %gt3A_127, %lt3A_130 : vector<16xi1>
      %jit3A_132 = arith.constant -1.000000e+00 : f32
      %broadcast_in_dim3A_133 = vector.broadcast %jit3A_132 : f32 to vector<16xf32>
      %select_n3A_134 = arith.select %and3A_131, %gather3A_124, %broadcast_in_dim3A_133 : vector<16xi1>, vector<16xf32>
      %add3A_135 = arith.constant 19968 : i32
      %add3A_136 = vector.broadcast %add3A_135 : i32 to vector<16xi32>
      %add3A_137 = arith.addi %add3A_136, %mul3A_5 : vector<16xi32>
      %add3A_138 = arith.constant 4 : i32
      %add3A_139 = vector.broadcast %add3A_138 : i32 to vector<16xi32>
      %add3A_140 = arith.addi %add3A_137, %add3A_139 : vector<16xi32>
      %min3A_141 = arith.constant 19999 : i32
      %min3A_142 = vector.broadcast %min3A_141 : i32 to vector<16xi32>
      %min3A_143 = arith.minsi %add3A_140, %min3A_142 : vector<16xi32>
      %gather3A_144 = tpu.vector_load_idx %arg9[%min3A_143] : memref<20000xf32, #tpu.memory_space<vmem>>[vector<16xi32>], vector<16xf32>,
      %gt3A_145 = arith.constant 5.000000e-02 : f32
      %gt3A_146 = vector.broadcast %gt3A_145 : f32 to vector<16xf32>
      %gt3A_147 = arith.cmpf ogt, %gather3A_144, %gt3A_146 : vector<16xf32>
      %lt3A_148 = arith.constant 20000 : i32
      %lt3A_149 = vector.broadcast %lt3A_148 : i32 to vector<16xi32>
      %lt3A_150 = arith.cmpi slt, %add3A_140, %lt3A_149 : vector<16xi32>
      %and3A_151 = arith.andi %gt3A_147, %lt3A_150 : vector<16xi1>
      %jit3A_152 = arith.constant -1.000000e+00 : f32
      %broadcast_in_dim3A_153 = vector.broadcast %jit3A_152 : f32 to vector<16xf32>
      %select_n3A_154 = arith.select %and3A_151, %gather3A_144, %broadcast_in_dim3A_153 : vector<16xi1>, vector<16xf32>
      %add3A_155 = arith.constant 19968 : i32
      %add3A_156 = vector.broadcast %add3A_155 : i32 to vector<16xi32>
      %add3A_157 = arith.addi %add3A_156, %mul3A_5 : vector<16xi32>
      %add3A_158 = arith.constant 5 : i32
      %add3A_159 = vector.broadcast %add3A_158 : i32 to vector<16xi32>
      %add3A_160 = arith.addi %add3A_157, %add3A_159 : vector<16xi32>
      %min3A_161 = arith.constant 19999 : i32
      %min3A_162 = vector.broadcast %min3A_161 : i32 to vector<16xi32>
      %min3A_163 = arith.minsi %add3A_160, %min3A_162 : vector<16xi32>
      %gather3A_164 = tpu.vector_load_idx %arg9[%min3A_163] : memref<20000xf32, #tpu.memory_space<vmem>>[vector<16xi32>], vector<16xf32>,
      %gt3A_165 = arith.constant 5.000000e-02 : f32
      %gt3A_166 = vector.broadcast %gt3A_165 : f32 to vector<16xf32>
      %gt3A_167 = arith.cmpf ogt, %gather3A_164, %gt3A_166 : vector<16xf32>
      %lt3A_168 = arith.constant 20000 : i32
      %lt3A_169 = vector.broadcast %lt3A_168 : i32 to vector<16xi32>
      %lt3A_170 = arith.cmpi slt, %add3A_160, %lt3A_169 : vector<16xi32>
      %and3A_171 = arith.andi %gt3A_167, %lt3A_170 : vector<16xi1>
      %jit3A_172 = arith.constant -1.000000e+00 : f32
      %broadcast_in_dim3A_173 = vector.broadcast %jit3A_172 : f32 to vector<16xf32>
      %select_n3A_174 = arith.select %and3A_171, %gather3A_164, %broadcast_in_dim3A_173 : vector<16xi1>, vector<16xf32>
      %add3A_175 = arith.constant 19968 : i32
      %add3A_176 = vector.broadcast %add3A_175 : i32 to vector<16xi32>
      %add3A_177 = arith.addi %add3A_176, %mul3A_5 : vector<16xi32>
      %add3A_178 = arith.constant 6 : i32
      %add3A_179 = vector.broadcast %add3A_178 : i32 to vector<16xi32>
      %add3A_180 = arith.addi %add3A_177, %add3A_179 : vector<16xi32>
      %min3A_181 = arith.constant 19999 : i32
      %min3A_182 = vector.broadcast %min3A_181 : i32 to vector<16xi32>
      %min3A_183 = arith.minsi %add3A_180, %min3A_182 : vector<16xi32>
      %gather3A_184 = tpu.vector_load_idx %arg9[%min3A_183] : memref<20000xf32, #tpu.memory_space<vmem>>[vector<16xi32>], vector<16xf32>,
      %gt3A_185 = arith.constant 5.000000e-02 : f32
      %gt3A_186 = vector.broadcast %gt3A_185 : f32 to vector<16xf32>
      %gt3A_187 = arith.cmpf ogt, %gather3A_184, %gt3A_186 : vector<16xf32>
      %lt3A_188 = arith.constant 20000 : i32
      %lt3A_189 = vector.broadcast %lt3A_188 : i32 to vector<16xi32>
      %lt3A_190 = arith.cmpi slt, %add3A_180, %lt3A_189 : vector<16xi32>
      %and3A_191 = arith.andi %gt3A_187, %lt3A_190 : vector<16xi1>
      %jit3A_192 = arith.constant -1.000000e+00 : f32
      %broadcast_in_dim3A_193 = vector.broadcast %jit3A_192 : f32 to vector<16xf32>
      %select_n3A_194 = arith.select %and3A_191, %gather3A_184, %broadcast_in_dim3A_193 : vector<16xi1>, vector<16xf32>
      %add3A_195 = arith.constant 19968 : i32
      %add3A_196 = vector.broadcast %add3A_195 : i32 to vector<16xi32>
      %add3A_197 = arith.addi %add3A_196, %mul3A_5 : vector<16xi32>
      %add3A_198 = arith.constant 7 : i32
      %add3A_199 = vector.broadcast %add3A_198 : i32 to vector<16xi32>
      %add3A_200 = arith.addi %add3A_197, %add3A_199 : vector<16xi32>
      %min3A_201 = arith.constant 19999 : i32
      %min3A_202 = vector.broadcast %min3A_201 : i32 to vector<16xi32>
      %min3A_203 = arith.minsi %add3A_200, %min3A_202 : vector<16xi32>
      %gather3A_204 = tpu.vector_load_idx %arg9[%min3A_203] : memref<20000xf32, #tpu.memory_space<vmem>>[vector<16xi32>], vector<16xf32>,
      %gt3A_205 = arith.constant 5.000000e-02 : f32
      %gt3A_206 = vector.broadcast %gt3A_205 : f32 to vector<16xf32>
      %gt3A_207 = arith.cmpf ogt, %gather3A_204, %gt3A_206 : vector<16xf32>
      %lt3A_208 = arith.constant 20000 : i32
      %lt3A_209 = vector.broadcast %lt3A_208 : i32 to vector<16xi32>
      %lt3A_210 = arith.cmpi slt, %add3A_200, %lt3A_209 : vector<16xi32>
      %and3A_211 = arith.andi %gt3A_207, %lt3A_210 : vector<16xi1>
      %jit3A_212 = arith.constant -1.000000e+00 : f32
      %broadcast_in_dim3A_213 = vector.broadcast %jit3A_212 : f32 to vector<16xf32>
      %select_n3A_214 = arith.select %and3A_211, %gather3A_204, %broadcast_in_dim3A_213 : vector<16xi1>, vector<16xf32>
      %add3A_215 = arith.constant 19968 : i32
      %add3A_216 = vector.broadcast %add3A_215 : i32 to vector<16xi32>
      %add3A_217 = arith.addi %add3A_216, %mul3A_5 : vector<16xi32>
      %add3A_218 = arith.constant 8 : i32
      %add3A_219 = vector.broadcast %add3A_218 : i32 to vector<16xi32>
      %add3A_220 = arith.addi %add3A_217, %add3A_219 : vector<16xi32>
      %min3A_221 = arith.constant 19999 : i32
      %min3A_222 = vector.broadcast %min3A_221 : i32 to vector<16xi32>
      %min3A_223 = arith.minsi %add3A_220, %min3A_222 : vector<16xi32>
      %gather3A_224 = tpu.vector_load_idx %arg9[%min3A_223] : memref<20000xf32, #tpu.memory_space<vmem>>[vector<16xi32>], vector<16xf32>,
      %gt3A_225 = arith.constant 5.000000e-02 : f32
      %gt3A_226 = vector.broadcast %gt3A_225 : f32 to vector<16xf32>
      %gt3A_227 = arith.cmpf ogt, %gather3A_224, %gt3A_226 : vector<16xf32>
      %lt3A_228 = arith.constant 20000 : i32
      %lt3A_229 = vector.broadcast %lt3A_228 : i32 to vector<16xi32>
      %lt3A_230 = arith.cmpi slt, %add3A_220, %lt3A_229 : vector<16xi32>
      %and3A_231 = arith.andi %gt3A_227, %lt3A_230 : vector<16xi1>
      %jit3A_232 = arith.constant -1.000000e+00 : f32
      %broadcast_in_dim3A_233 = vector.broadcast %jit3A_232 : f32 to vector<16xf32>
      %select_n3A_234 = arith.select %and3A_231, %gather3A_224, %broadcast_in_dim3A_233 : vector<16xi1>, vector<16xf32>
      %add3A_235 = arith.constant 19968 : i32
      %add3A_236 = vector.broadcast %add3A_235 : i32 to vector<16xi32>
      %add3A_237 = arith.addi %add3A_236, %mul3A_5 : vector<16xi32>
      %add3A_238 = arith.constant 9 : i32
      %add3A_239 = vector.broadcast %add3A_238 : i32 to vector<16xi32>
      %add3A_240 = arith.addi %add3A_237, %add3A_239 : vector<16xi32>
      %min3A_241 = arith.constant 19999 : i32
      %min3A_242 = vector.broadcast %min3A_241 : i32 to vector<16xi32>
      %min3A_243 = arith.minsi %add3A_240, %min3A_242 : vector<16xi32>
      %gather3A_244 = tpu.vector_load_idx %arg9[%min3A_243] : memref<20000xf32, #tpu.memory_space<vmem>>[vector<16xi32>], vector<16xf32>,
      %gt3A_245 = arith.constant 5.000000e-02 : f32
      %gt3A_246 = vector.broadcast %gt3A_245 : f32 to vector<16xf32>
      %gt3A_247 = arith.cmpf ogt, %gather3A_244, %gt3A_246 : vector<16xf32>
      %lt3A_248 = arith.constant 20000 : i32
      %lt3A_249 = vector.broadcast %lt3A_248 : i32 to vector<16xi32>
      %lt3A_250 = arith.cmpi slt, %add3A_240, %lt3A_249 : vector<16xi32>
      %and3A_251 = arith.andi %gt3A_247, %lt3A_250 : vector<16xi1>
      %jit3A_252 = arith.constant -1.000000e+00 : f32
      %broadcast_in_dim3A_253 = vector.broadcast %jit3A_252 : f32 to vector<16xf32>
      %select_n3A_254 = arith.select %and3A_251, %gather3A_244, %broadcast_in_dim3A_253 : vector<16xi1>, vector<16xf32>
      %add3A_255 = arith.constant 19968 : i32
      %add3A_256 = vector.broadcast %add3A_255 : i32 to vector<16xi32>
      %add3A_257 = arith.addi %add3A_256, %mul3A_5 : vector<16xi32>
      %add3A_258 = arith.constant 10 : i32
      %add3A_259 = vector.broadcast %add3A_258 : i32 to vector<16xi32>
      %add3A_260 = arith.addi %add3A_257, %add3A_259 : vector<16xi32>
      %min3A_261 = arith.constant 19999 : i32
      %min3A_262 = vector.broadcast %min3A_261 : i32 to vector<16xi32>
      %min3A_263 = arith.minsi %add3A_260, %min3A_262 : vector<16xi32>
      %gather3A_264 = tpu.vector_load_idx %arg9[%min3A_263] : memref<20000xf32, #tpu.memory_space<vmem>>[vector<16xi32>], vector<16xf32>,
      %gt3A_265 = arith.constant 5.000000e-02 : f32
      %gt3A_266 = vector.broadcast %gt3A_265 : f32 to vector<16xf32>
      %gt3A_267 = arith.cmpf ogt, %gather3A_264, %gt3A_266 : vector<16xf32>
      %lt3A_268 = arith.constant 20000 : i32
      %lt3A_269 = vector.broadcast %lt3A_268 : i32 to vector<16xi32>
      %lt3A_270 = arith.cmpi slt, %add3A_260, %lt3A_269 : vector<16xi32>
      %and3A_271 = arith.andi %gt3A_267, %lt3A_270 : vector<16xi1>
      %jit3A_272 = arith.constant -1.000000e+00 : f32
      %broadcast_in_dim3A_273 = vector.broadcast %jit3A_272 : f32 to vector<16xf32>
      %select_n3A_274 = arith.select %and3A_271, %gather3A_264, %broadcast_in_dim3A_273 : vector<16xi1>, vector<16xf32>
      %add3A_275 = arith.constant 19968 : i32
      %add3A_276 = vector.broadcast %add3A_275 : i32 to vector<16xi32>
      %add3A_277 = arith.addi %add3A_276, %mul3A_5 : vector<16xi32>
      %add3A_278 = arith.constant 11 : i32
      %add3A_279 = vector.broadcast %add3A_278 : i32 to vector<16xi32>
      %add3A_280 = arith.addi %add3A_277, %add3A_279 : vector<16xi32>
      %min3A_281 = arith.constant 19999 : i32
      %min3A_282 = vector.broadcast %min3A_281 : i32 to vector<16xi32>
      %min3A_283 = arith.minsi %add3A_280, %min3A_282 : vector<16xi32>
      %gather3A_284 = tpu.vector_load_idx %arg9[%min3A_283] : memref<20000xf32, #tpu.memory_space<vmem>>[vector<16xi32>], vector<16xf32>,
      %gt3A_285 = arith.constant 5.000000e-02 : f32
      %gt3A_286 = vector.broadcast %gt3A_285 : f32 to vector<16xf32>
      %gt3A_287 = arith.cmpf ogt, %gather3A_284, %gt3A_286 : vector<16xf32>
      %lt3A_288 = arith.constant 20000 : i32
      %lt3A_289 = vector.broadcast %lt3A_288 : i32 to vector<16xi32>
      %lt3A_290 = arith.cmpi slt, %add3A_280, %lt3A_289 : vector<16xi32>
      %and3A_291 = arith.andi %gt3A_287, %lt3A_290 : vector<16xi1>
      %jit3A_292 = arith.constant -1.000000e+00 : f32
      %broadcast_in_dim3A_293 = vector.broadcast %jit3A_292 : f32 to vector<16xf32>
      %select_n3A_294 = arith.select %and3A_291, %gather3A_284, %broadcast_in_dim3A_293 : vector<16xi1>, vector<16xf32>
      %add3A_295 = arith.constant 19968 : i32
      %add3A_296 = vector.broadcast %add3A_295 : i32 to vector<16xi32>
      %add3A_297 = arith.addi %add3A_296, %mul3A_5 : vector<16xi32>
      %add3A_298 = arith.constant 12 : i32
      %add3A_299 = vector.broadcast %add3A_298 : i32 to vector<16xi32>
      %add3A_300 = arith.addi %add3A_297, %add3A_299 : vector<16xi32>
      %min3A_301 = arith.constant 19999 : i32
      %min3A_302 = vector.broadcast %min3A_301 : i32 to vector<16xi32>
      %min3A_303 = arith.minsi %add3A_300, %min3A_302 : vector<16xi32>
      %gather3A_304 = tpu.vector_load_idx %arg9[%min3A_303] : memref<20000xf32, #tpu.memory_space<vmem>>[vector<16xi32>], vector<16xf32>,
      %gt3A_305 = arith.constant 5.000000e-02 : f32
      %gt3A_306 = vector.broadcast %gt3A_305 : f32 to vector<16xf32>
      %gt3A_307 = arith.cmpf ogt, %gather3A_304, %gt3A_306 : vector<16xf32>
      %lt3A_308 = arith.constant 20000 : i32
      %lt3A_309 = vector.broadcast %lt3A_308 : i32 to vector<16xi32>
      %lt3A_310 = arith.cmpi slt, %add3A_300, %lt3A_309 : vector<16xi32>
      %and3A_311 = arith.andi %gt3A_307, %lt3A_310 : vector<16xi1>
      %jit3A_312 = arith.constant -1.000000e+00 : f32
      %broadcast_in_dim3A_313 = vector.broadcast %jit3A_312 : f32 to vector<16xf32>
      %select_n3A_314 = arith.select %and3A_311, %gather3A_304, %broadcast_in_dim3A_313 : vector<16xi1>, vector<16xf32>
      %add3A_315 = arith.constant 19968 : i32
      %add3A_316 = vector.broadcast %add3A_315 : i32 to vector<16xi32>
      %add3A_317 = arith.addi %add3A_316, %mul3A_5 : vector<16xi32>
      %add3A_318 = arith.constant 13 : i32
      %add3A_319 = vector.broadcast %add3A_318 : i32 to vector<16xi32>
      %add3A_320 = arith.addi %add3A_317, %add3A_319 : vector<16xi32>
      %min3A_321 = arith.constant 19999 : i32
      %min3A_322 = vector.broadcast %min3A_321 : i32 to vector<16xi32>
      %min3A_323 = arith.minsi %add3A_320, %min3A_322 : vector<16xi32>
      %gather3A_324 = tpu.vector_load_idx %arg9[%min3A_323] : memref<20000xf32, #tpu.memory_space<vmem>>[vector<16xi32>], vector<16xf32>,
      %gt3A_325 = arith.constant 5.000000e-02 : f32
      %gt3A_326 = vector.broadcast %gt3A_325 : f32 to vector<16xf32>
      %gt3A_327 = arith.cmpf ogt, %gather3A_324, %gt3A_326 : vector<16xf32>
      %lt3A_328 = arith.constant 20000 : i32
      %lt3A_329 = vector.broadcast %lt3A_328 : i32 to vector<16xi32>
      %lt3A_330 = arith.cmpi slt, %add3A_320, %lt3A_329 : vector<16xi32>
      %and3A_331 = arith.andi %gt3A_327, %lt3A_330 : vector<16xi1>
      %jit3A_332 = arith.constant -1.000000e+00 : f32
      %broadcast_in_dim3A_333 = vector.broadcast %jit3A_332 : f32 to vector<16xf32>
      %select_n3A_334 = arith.select %and3A_331, %gather3A_324, %broadcast_in_dim3A_333 : vector<16xi1>, vector<16xf32>
      %add3A_335 = arith.constant 19968 : i32
      %add3A_336 = vector.broadcast %add3A_335 : i32 to vector<16xi32>
      %add3A_337 = arith.addi %add3A_336, %mul3A_5 : vector<16xi32>
      %add3A_338 = arith.constant 14 : i32
      %add3A_339 = vector.broadcast %add3A_338 : i32 to vector<16xi32>
      %add3A_340 = arith.addi %add3A_337, %add3A_339 : vector<16xi32>
      %min3A_341 = arith.constant 19999 : i32
      %min3A_342 = vector.broadcast %min3A_341 : i32 to vector<16xi32>
      %min3A_343 = arith.minsi %add3A_340, %min3A_342 : vector<16xi32>
      %gather3A_344 = tpu.vector_load_idx %arg9[%min3A_343] : memref<20000xf32, #tpu.memory_space<vmem>>[vector<16xi32>], vector<16xf32>,
      %gt3A_345 = arith.constant 5.000000e-02 : f32
      %gt3A_346 = vector.broadcast %gt3A_345 : f32 to vector<16xf32>
      %gt3A_347 = arith.cmpf ogt, %gather3A_344, %gt3A_346 : vector<16xf32>
      %lt3A_348 = arith.constant 20000 : i32
      %lt3A_349 = vector.broadcast %lt3A_348 : i32 to vector<16xi32>
      %lt3A_350 = arith.cmpi slt, %add3A_340, %lt3A_349 : vector<16xi32>
      %and3A_351 = arith.andi %gt3A_347, %lt3A_350 : vector<16xi1>
      %jit3A_352 = arith.constant -1.000000e+00 : f32
      %broadcast_in_dim3A_353 = vector.broadcast %jit3A_352 : f32 to vector<16xf32>
      %select_n3A_354 = arith.select %and3A_351, %gather3A_344, %broadcast_in_dim3A_353 : vector<16xi1>, vector<16xf32>
      %add3A_355 = arith.constant 19968 : i32
      %add3A_356 = vector.broadcast %add3A_355 : i32 to vector<16xi32>
      %add3A_357 = arith.addi %add3A_356, %mul3A_5 : vector<16xi32>
      %add3A_358 = arith.constant 15 : i32
      %add3A_359 = vector.broadcast %add3A_358 : i32 to vector<16xi32>
      %add3A_360 = arith.addi %add3A_357, %add3A_359 : vector<16xi32>
      %min3A_361 = arith.constant 19999 : i32
      %min3A_362 = vector.broadcast %min3A_361 : i32 to vector<16xi32>
      %min3A_363 = arith.minsi %add3A_360, %min3A_362 : vector<16xi32>
      %gather3A_364 = tpu.vector_load_idx %arg9[%min3A_363] : memref<20000xf32, #tpu.memory_space<vmem>>[vector<16xi32>], vector<16xf32>,
      %gt3A_365 = arith.constant 5.000000e-02 : f32
      %gt3A_366 = vector.broadcast %gt3A_365 : f32 to vector<16xf32>
      %gt3A_367 = arith.cmpf ogt, %gather3A_364, %gt3A_366 : vector<16xf32>
      %lt3A_368 = arith.constant 20000 : i32
      %lt3A_369 = vector.broadcast %lt3A_368 : i32 to vector<16xi32>
      %lt3A_370 = arith.cmpi slt, %add3A_360, %lt3A_369 : vector<16xi32>
      %and3A_371 = arith.andi %gt3A_367, %lt3A_370 : vector<16xi1>
      %jit3A_372 = arith.constant -1.000000e+00 : f32
      %broadcast_in_dim3A_373 = vector.broadcast %jit3A_372 : f32 to vector<16xf32>
      %select_n3A_374 = arith.select %and3A_371, %gather3A_364, %broadcast_in_dim3A_373 : vector<16xi1>, vector<16xf32>
      %max3A = arith.maximumf %select_n3A, %select_n3A_94 : vector<16xf32>
      %max3A_375 = arith.maximumf %select_n3A_114, %select_n3A_134 : vector<16xf32>
      %max3A_376 = arith.maximumf %select_n3A_154, %select_n3A_174 : vector<16xf32>
      %max3A_377 = arith.maximumf %select_n3A_194, %select_n3A_214 : vector<16xf32>
      %max3A_378 = arith.maximumf %select_n3A_234, %select_n3A_254 : vector<16xf32>
      %max3A_379 = arith.maximumf %select_n3A_274, %select_n3A_294 : vector<16xf32>
      %max3A_380 = arith.maximumf %select_n3A_314, %select_n3A_334 : vector<16xf32>
      %max3A_381 = arith.maximumf %select_n3A_354, %select_n3A_374 : vector<16xf32>
      %max3A_382 = arith.maximumf %max3A, %max3A_375 : vector<16xf32>
      %max3A_383 = arith.maximumf %max3A_376, %max3A_377 : vector<16xf32>
      %max3A_384 = arith.maximumf %max3A_378, %max3A_379 : vector<16xf32>
      %max3A_385 = arith.maximumf %max3A_380, %max3A_381 : vector<16xf32>
      %max3A_386 = arith.maximumf %max3A_382, %max3A_383 : vector<16xf32>
      %max3A_387 = arith.maximumf %max3A_384, %max3A_385 : vector<16xf32>
      %max3A_388 = arith.maximumf %max3A_386, %max3A_387 : vector<16xf32>
      %swap3A_389 = arith.constant 1248 : index
      %swap3A_390 = tpu.vector_load %arg10[%swap3A_389] {strides = array<i32>} : memref<1264xf32, #tpu.memory_space<vmem>>, vector<16xf32>,
      tpu.vector_store %arg10[%swap3A_389], %max3A_388 {strides = array<i32>} : memref<1264xf32, #tpu.memory_space<vmem>>, vector<16xf32>,
      %scan3A_391 = arith.constant 0 : i32
      %scan3A_392 = arith.constant 0 : i32
      %scan3A_393 = arith.constant 5 : i32
      %scan3A_394 = arith.addi %scan3A_392, %scan3A_393 : i32
      %scan3A_395 = arith.constant 1 : i32
      scf.for %scan3A_508 = %scan3A_392 to %scan3A_394 step %scan3A_395  : i32 {
        %mul3A_509 = arith.constant 256 : i32
        %mul3A_510 = arith.muli %scan3A_508, %mul3A_509 : i32
        %add3A_511 = vector.broadcast %mul3A_510 : i32 to vector<16xi32>
        %add3A_512 = arith.addi %add3A_511, %mul3A_5 : vector<16xi32>
        %add3A_513 = arith.constant 0 : i32
        %add3A_514 = vector.broadcast %add3A_513 : i32 to vector<16xi32>
        %add3A_515 = arith.addi %add3A_512, %add3A_514 : vector<16xi32>
        %min3A_516 = arith.constant 1263 : i32
        %min3A_517 = vector.broadcast %min3A_516 : i32 to vector<16xi32>
        %min3A_518 = arith.minsi %add3A_515, %min3A_517 : vector<16xi32>
        %gather3A_519 = tpu.vector_load_idx %arg10[%min3A_518] : memref<1264xf32, #tpu.memory_space<vmem>>[vector<16xi32>], vector<16xf32>,
        %lt3A_520 = arith.constant 1264 : i32
        %lt3A_521 = vector.broadcast %lt3A_520 : i32 to vector<16xi32>
        %lt3A_522 = arith.cmpi slt, %add3A_515, %lt3A_521 : vector<16xi32>
        %jit3A_523 = arith.constant -1.000000e+00 : f32
        %broadcast_in_dim3A_524 = vector.broadcast %jit3A_523 : f32 to vector<16xf32>
        %select_n3A_525 = arith.select %lt3A_522, %gather3A_519, %broadcast_in_dim3A_524 : vector<16xi1>, vector<16xf32>
        %mul3A_526 = arith.constant 256 : i32
        %mul3A_527 = arith.muli %scan3A_508, %mul3A_526 : i32
        %add3A_528 = vector.broadcast %mul3A_527 : i32 to vector<16xi32>
        %add3A_529 = arith.addi %add3A_528, %mul3A_5 : vector<16xi32>
        %add3A_530 = arith.constant 1 : i32
        %add3A_531 = vector.broadcast %add3A_530 : i32 to vector<16xi32>
        %add3A_532 = arith.addi %add3A_529, %add3A_531 : vector<16xi32>
        %min3A_533 = arith.constant 1263 : i32
        %min3A_534 = vector.broadcast %min3A_533 : i32 to vector<16xi32>
        %min3A_535 = arith.minsi %add3A_532, %min3A_534 : vector<16xi32>
        %gather3A_536 = tpu.vector_load_idx %arg10[%min3A_535] : memref<1264xf32, #tpu.memory_space<vmem>>[vector<16xi32>], vector<16xf32>,
        %lt3A_537 = arith.constant 1264 : i32
        %lt3A_538 = vector.broadcast %lt3A_537 : i32 to vector<16xi32>
        %lt3A_539 = arith.cmpi slt, %add3A_532, %lt3A_538 : vector<16xi32>
        %jit3A_540 = arith.constant -1.000000e+00 : f32
        %broadcast_in_dim3A_541 = vector.broadcast %jit3A_540 : f32 to vector<16xf32>
        %select_n3A_542 = arith.select %lt3A_539, %gather3A_536, %broadcast_in_dim3A_541 : vector<16xi1>, vector<16xf32>
        %mul3A_543 = arith.constant 256 : i32
        %mul3A_544 = arith.muli %scan3A_508, %mul3A_543 : i32
        %add3A_545 = vector.broadcast %mul3A_544 : i32 to vector<16xi32>
        %add3A_546 = arith.addi %add3A_545, %mul3A_5 : vector<16xi32>
        %add3A_547 = arith.constant 2 : i32
        %add3A_548 = vector.broadcast %add3A_547 : i32 to vector<16xi32>
        %add3A_549 = arith.addi %add3A_546, %add3A_548 : vector<16xi32>
        %min3A_550 = arith.constant 1263 : i32
        %min3A_551 = vector.broadcast %min3A_550 : i32 to vector<16xi32>
        %min3A_552 = arith.minsi %add3A_549, %min3A_551 : vector<16xi32>
        %gather3A_553 = tpu.vector_load_idx %arg10[%min3A_552] : memref<1264xf32, #tpu.memory_space<vmem>>[vector<16xi32>], vector<16xf32>,
        %lt3A_554 = arith.constant 1264 : i32
        %lt3A_555 = vector.broadcast %lt3A_554 : i32 to vector<16xi32>
        %lt3A_556 = arith.cmpi slt, %add3A_549, %lt3A_555 : vector<16xi32>
        %jit3A_557 = arith.constant -1.000000e+00 : f32
        %broadcast_in_dim3A_558 = vector.broadcast %jit3A_557 : f32 to vector<16xf32>
        %select_n3A_559 = arith.select %lt3A_556, %gather3A_553, %broadcast_in_dim3A_558 : vector<16xi1>, vector<16xf32>
        %mul3A_560 = arith.constant 256 : i32
        %mul3A_561 = arith.muli %scan3A_508, %mul3A_560 : i32
        %add3A_562 = vector.broadcast %mul3A_561 : i32 to vector<16xi32>
        %add3A_563 = arith.addi %add3A_562, %mul3A_5 : vector<16xi32>
        %add3A_564 = arith.constant 3 : i32
        %add3A_565 = vector.broadcast %add3A_564 : i32 to vector<16xi32>
        %add3A_566 = arith.addi %add3A_563, %add3A_565 : vector<16xi32>
        %min3A_567 = arith.constant 1263 : i32
        %min3A_568 = vector.broadcast %min3A_567 : i32 to vector<16xi32>
        %min3A_569 = arith.minsi %add3A_566, %min3A_568 : vector<16xi32>
        %gather3A_570 = tpu.vector_load_idx %arg10[%min3A_569] : memref<1264xf32, #tpu.memory_space<vmem>>[vector<16xi32>], vector<16xf32>,
        %lt3A_571 = arith.constant 1264 : i32
        %lt3A_572 = vector.broadcast %lt3A_571 : i32 to vector<16xi32>
        %lt3A_573 = arith.cmpi slt, %add3A_566, %lt3A_572 : vector<16xi32>
        %jit3A_574 = arith.constant -1.000000e+00 : f32
        %broadcast_in_dim3A_575 = vector.broadcast %jit3A_574 : f32 to vector<16xf32>
        %select_n3A_576 = arith.select %lt3A_573, %gather3A_570, %broadcast_in_dim3A_575 : vector<16xi1>, vector<16xf32>
        %mul3A_577 = arith.constant 256 : i32
        %mul3A_578 = arith.muli %scan3A_508, %mul3A_577 : i32
        %add3A_579 = vector.broadcast %mul3A_578 : i32 to vector<16xi32>
        %add3A_580 = arith.addi %add3A_579, %mul3A_5 : vector<16xi32>
        %add3A_581 = arith.constant 4 : i32
        %add3A_582 = vector.broadcast %add3A_581 : i32 to vector<16xi32>
        %add3A_583 = arith.addi %add3A_580, %add3A_582 : vector<16xi32>
        %min3A_584 = arith.constant 1263 : i32
        %min3A_585 = vector.broadcast %min3A_584 : i32 to vector<16xi32>
        %min3A_586 = arith.minsi %add3A_583, %min3A_585 : vector<16xi32>
        %gather3A_587 = tpu.vector_load_idx %arg10[%min3A_586] : memref<1264xf32, #tpu.memory_space<vmem>>[vector<16xi32>], vector<16xf32>,
        %lt3A_588 = arith.constant 1264 : i32
        %lt3A_589 = vector.broadcast %lt3A_588 : i32 to vector<16xi32>
        %lt3A_590 = arith.cmpi slt, %add3A_583, %lt3A_589 : vector<16xi32>
        %jit3A_591 = arith.constant -1.000000e+00 : f32
        %broadcast_in_dim3A_592 = vector.broadcast %jit3A_591 : f32 to vector<16xf32>
        %select_n3A_593 = arith.select %lt3A_590, %gather3A_587, %broadcast_in_dim3A_592 : vector<16xi1>, vector<16xf32>
        %mul3A_594 = arith.constant 256 : i32
        %mul3A_595 = arith.muli %scan3A_508, %mul3A_594 : i32
        %add3A_596 = vector.broadcast %mul3A_595 : i32 to vector<16xi32>
        %add3A_597 = arith.addi %add3A_596, %mul3A_5 : vector<16xi32>
        %add3A_598 = arith.constant 5 : i32
        %add3A_599 = vector.broadcast %add3A_598 : i32 to vector<16xi32>
        %add3A_600 = arith.addi %add3A_597, %add3A_599 : vector<16xi32>
        %min3A_601 = arith.constant 1263 : i32
        %min3A_602 = vector.broadcast %min3A_601 : i32 to vector<16xi32>
        %min3A_603 = arith.minsi %add3A_600, %min3A_602 : vector<16xi32>
        %gather3A_604 = tpu.vector_load_idx %arg10[%min3A_603] : memref<1264xf32, #tpu.memory_space<vmem>>[vector<16xi32>], vector<16xf32>,
        %lt3A_605 = arith.constant 1264 : i32
        %lt3A_606 = vector.broadcast %lt3A_605 : i32 to vector<16xi32>
        %lt3A_607 = arith.cmpi slt, %add3A_600, %lt3A_606 : vector<16xi32>
        %jit3A_608 = arith.constant -1.000000e+00 : f32
        %broadcast_in_dim3A_609 = vector.broadcast %jit3A_608 : f32 to vector<16xf32>
        %select_n3A_610 = arith.select %lt3A_607, %gather3A_604, %broadcast_in_dim3A_609 : vector<16xi1>, vector<16xf32>
        %mul3A_611 = arith.constant 256 : i32
        %mul3A_612 = arith.muli %scan3A_508, %mul3A_611 : i32
        %add3A_613 = vector.broadcast %mul3A_612 : i32 to vector<16xi32>
        %add3A_614 = arith.addi %add3A_613, %mul3A_5 : vector<16xi32>
        %add3A_615 = arith.constant 6 : i32
        %add3A_616 = vector.broadcast %add3A_615 : i32 to vector<16xi32>
        %add3A_617 = arith.addi %add3A_614, %add3A_616 : vector<16xi32>
        %min3A_618 = arith.constant 1263 : i32
        %min3A_619 = vector.broadcast %min3A_618 : i32 to vector<16xi32>
        %min3A_620 = arith.minsi %add3A_617, %min3A_619 : vector<16xi32>
        %gather3A_621 = tpu.vector_load_idx %arg10[%min3A_620] : memref<1264xf32, #tpu.memory_space<vmem>>[vector<16xi32>], vector<16xf32>,
        %lt3A_622 = arith.constant 1264 : i32
        %lt3A_623 = vector.broadcast %lt3A_622 : i32 to vector<16xi32>
        %lt3A_624 = arith.cmpi slt, %add3A_617, %lt3A_623 : vector<16xi32>
        %jit3A_625 = arith.constant -1.000000e+00 : f32
        %broadcast_in_dim3A_626 = vector.broadcast %jit3A_625 : f32 to vector<16xf32>
        %select_n3A_627 = arith.select %lt3A_624, %gather3A_621, %broadcast_in_dim3A_626 : vector<16xi1>, vector<16xf32>
        %mul3A_628 = arith.constant 256 : i32
        %mul3A_629 = arith.muli %scan3A_508, %mul3A_628 : i32
        %add3A_630 = vector.broadcast %mul3A_629 : i32 to vector<16xi32>
        %add3A_631 = arith.addi %add3A_630, %mul3A_5 : vector<16xi32>
        %add3A_632 = arith.constant 7 : i32
        %add3A_633 = vector.broadcast %add3A_632 : i32 to vector<16xi32>
        %add3A_634 = arith.addi %add3A_631, %add3A_633 : vector<16xi32>
        %min3A_635 = arith.constant 1263 : i32
        %min3A_636 = vector.broadcast %min3A_635 : i32 to vector<16xi32>
        %min3A_637 = arith.minsi %add3A_634, %min3A_636 : vector<16xi32>
        %gather3A_638 = tpu.vector_load_idx %arg10[%min3A_637] : memref<1264xf32, #tpu.memory_space<vmem>>[vector<16xi32>], vector<16xf32>,
        %lt3A_639 = arith.constant 1264 : i32
        %lt3A_640 = vector.broadcast %lt3A_639 : i32 to vector<16xi32>
        %lt3A_641 = arith.cmpi slt, %add3A_634, %lt3A_640 : vector<16xi32>
        %jit3A_642 = arith.constant -1.000000e+00 : f32
        %broadcast_in_dim3A_643 = vector.broadcast %jit3A_642 : f32 to vector<16xf32>
        %select_n3A_644 = arith.select %lt3A_641, %gather3A_638, %broadcast_in_dim3A_643 : vector<16xi1>, vector<16xf32>
        %mul3A_645 = arith.constant 256 : i32
        %mul3A_646 = arith.muli %scan3A_508, %mul3A_645 : i32
        %add3A_647 = vector.broadcast %mul3A_646 : i32 to vector<16xi32>
        %add3A_648 = arith.addi %add3A_647, %mul3A_5 : vector<16xi32>
        %add3A_649 = arith.constant 8 : i32
        %add3A_650 = vector.broadcast %add3A_649 : i32 to vector<16xi32>
        %add3A_651 = arith.addi %add3A_648, %add3A_650 : vector<16xi32>
        %min3A_652 = arith.constant 1263 : i32
        %min3A_653 = vector.broadcast %min3A_652 : i32 to vector<16xi32>
        %min3A_654 = arith.minsi %add3A_651, %min3A_653 : vector<16xi32>
        %gather3A_655 = tpu.vector_load_idx %arg10[%min3A_654] : memref<1264xf32, #tpu.memory_space<vmem>>[vector<16xi32>], vector<16xf32>,
        %lt3A_656 = arith.constant 1264 : i32
        %lt3A_657 = vector.broadcast %lt3A_656 : i32 to vector<16xi32>
        %lt3A_658 = arith.cmpi slt, %add3A_651, %lt3A_657 : vector<16xi32>
        %jit3A_659 = arith.constant -1.000000e+00 : f32
        %broadcast_in_dim3A_660 = vector.broadcast %jit3A_659 : f32 to vector<16xf32>
        %select_n3A_661 = arith.select %lt3A_658, %gather3A_655, %broadcast_in_dim3A_660 : vector<16xi1>, vector<16xf32>
        %mul3A_662 = arith.constant 256 : i32
        %mul3A_663 = arith.muli %scan3A_508, %mul3A_662 : i32
        %add3A_664 = vector.broadcast %mul3A_663 : i32 to vector<16xi32>
        %add3A_665 = arith.addi %add3A_664, %mul3A_5 : vector<16xi32>
        %add3A_666 = arith.constant 9 : i32
        %add3A_667 = vector.broadcast %add3A_666 : i32 to vector<16xi32>
        %add3A_668 = arith.addi %add3A_665, %add3A_667 : vector<16xi32>
        %min3A_669 = arith.constant 1263 : i32
        %min3A_670 = vector.broadcast %min3A_669 : i32 to vector<16xi32>
        %min3A_671 = arith.minsi %add3A_668, %min3A_670 : vector<16xi32>
        %gather3A_672 = tpu.vector_load_idx %arg10[%min3A_671] : memref<1264xf32, #tpu.memory_space<vmem>>[vector<16xi32>], vector<16xf32>,
        %lt3A_673 = arith.constant 1264 : i32
        %lt3A_674 = vector.broadcast %lt3A_673 : i32 to vector<16xi32>
        %lt3A_675 = arith.cmpi slt, %add3A_668, %lt3A_674 : vector<16xi32>
        %jit3A_676 = arith.constant -1.000000e+00 : f32
        %broadcast_in_dim3A_677 = vector.broadcast %jit3A_676 : f32 to vector<16xf32>
        %select_n3A_678 = arith.select %lt3A_675, %gather3A_672, %broadcast_in_dim3A_677 : vector<16xi1>, vector<16xf32>
        %mul3A_679 = arith.constant 256 : i32
        %mul3A_680 = arith.muli %scan3A_508, %mul3A_679 : i32
        %add3A_681 = vector.broadcast %mul3A_680 : i32 to vector<16xi32>
        %add3A_682 = arith.addi %add3A_681, %mul3A_5 : vector<16xi32>
        %add3A_683 = arith.constant 10 : i32
        %add3A_684 = vector.broadcast %add3A_683 : i32 to vector<16xi32>
        %add3A_685 = arith.addi %add3A_682, %add3A_684 : vector<16xi32>
        %min3A_686 = arith.constant 1263 : i32
        %min3A_687 = vector.broadcast %min3A_686 : i32 to vector<16xi32>
        %min3A_688 = arith.minsi %add3A_685, %min3A_687 : vector<16xi32>
        %gather3A_689 = tpu.vector_load_idx %arg10[%min3A_688] : memref<1264xf32, #tpu.memory_space<vmem>>[vector<16xi32>], vector<16xf32>,
        %lt3A_690 = arith.constant 1264 : i32
        %lt3A_691 = vector.broadcast %lt3A_690 : i32 to vector<16xi32>
        %lt3A_692 = arith.cmpi slt, %add3A_685, %lt3A_691 : vector<16xi32>
        %jit3A_693 = arith.constant -1.000000e+00 : f32
        %broadcast_in_dim3A_694 = vector.broadcast %jit3A_693 : f32 to vector<16xf32>
        %select_n3A_695 = arith.select %lt3A_692, %gather3A_689, %broadcast_in_dim3A_694 : vector<16xi1>, vector<16xf32>
        %mul3A_696 = arith.constant 256 : i32
        %mul3A_697 = arith.muli %scan3A_508, %mul3A_696 : i32
        %add3A_698 = vector.broadcast %mul3A_697 : i32 to vector<16xi32>
        %add3A_699 = arith.addi %add3A_698, %mul3A_5 : vector<16xi32>
        %add3A_700 = arith.constant 11 : i32
        %add3A_701 = vector.broadcast %add3A_700 : i32 to vector<16xi32>
        %add3A_702 = arith.addi %add3A_699, %add3A_701 : vector<16xi32>
        %min3A_703 = arith.constant 1263 : i32
        %min3A_704 = vector.broadcast %min3A_703 : i32 to vector<16xi32>
        %min3A_705 = arith.minsi %add3A_702, %min3A_704 : vector<16xi32>
        %gather3A_706 = tpu.vector_load_idx %arg10[%min3A_705] : memref<1264xf32, #tpu.memory_space<vmem>>[vector<16xi32>], vector<16xf32>,
        %lt3A_707 = arith.constant 1264 : i32
        %lt3A_708 = vector.broadcast %lt3A_707 : i32 to vector<16xi32>
        %lt3A_709 = arith.cmpi slt, %add3A_702, %lt3A_708 : vector<16xi32>
        %jit3A_710 = arith.constant -1.000000e+00 : f32
        %broadcast_in_dim3A_711 = vector.broadcast %jit3A_710 : f32 to vector<16xf32>
        %select_n3A_712 = arith.select %lt3A_709, %gather3A_706, %broadcast_in_dim3A_711 : vector<16xi1>, vector<16xf32>
        %mul3A_713 = arith.constant 256 : i32
        %mul3A_714 = arith.muli %scan3A_508, %mul3A_713 : i32
        %add3A_715 = vector.broadcast %mul3A_714 : i32 to vector<16xi32>
        %add3A_716 = arith.addi %add3A_715, %mul3A_5 : vector<16xi32>
        %add3A_717 = arith.constant 12 : i32
        %add3A_718 = vector.broadcast %add3A_717 : i32 to vector<16xi32>
        %add3A_719 = arith.addi %add3A_716, %add3A_718 : vector<16xi32>
        %min3A_720 = arith.constant 1263 : i32
        %min3A_721 = vector.broadcast %min3A_720 : i32 to vector<16xi32>
        %min3A_722 = arith.minsi %add3A_719, %min3A_721 : vector<16xi32>
        %gather3A_723 = tpu.vector_load_idx %arg10[%min3A_722] : memref<1264xf32, #tpu.memory_space<vmem>>[vector<16xi32>], vector<16xf32>,
        %lt3A_724 = arith.constant 1264 : i32
        %lt3A_725 = vector.broadcast %lt3A_724 : i32 to vector<16xi32>
        %lt3A_726 = arith.cmpi slt, %add3A_719, %lt3A_725 : vector<16xi32>
        %jit3A_727 = arith.constant -1.000000e+00 : f32
        %broadcast_in_dim3A_728 = vector.broadcast %jit3A_727 : f32 to vector<16xf32>
        %select_n3A_729 = arith.select %lt3A_726, %gather3A_723, %broadcast_in_dim3A_728 : vector<16xi1>, vector<16xf32>
        %mul3A_730 = arith.constant 256 : i32
        %mul3A_731 = arith.muli %scan3A_508, %mul3A_730 : i32
        %add3A_732 = vector.broadcast %mul3A_731 : i32 to vector<16xi32>
        %add3A_733 = arith.addi %add3A_732, %mul3A_5 : vector<16xi32>
        %add3A_734 = arith.constant 13 : i32
        %add3A_735 = vector.broadcast %add3A_734 : i32 to vector<16xi32>
        %add3A_736 = arith.addi %add3A_733, %add3A_735 : vector<16xi32>
        %min3A_737 = arith.constant 1263 : i32
        %min3A_738 = vector.broadcast %min3A_737 : i32 to vector<16xi32>
        %min3A_739 = arith.minsi %add3A_736, %min3A_738 : vector<16xi32>
        %gather3A_740 = tpu.vector_load_idx %arg10[%min3A_739] : memref<1264xf32, #tpu.memory_space<vmem>>[vector<16xi32>], vector<16xf32>,
        %lt3A_741 = arith.constant 1264 : i32
        %lt3A_742 = vector.broadcast %lt3A_741 : i32 to vector<16xi32>
        %lt3A_743 = arith.cmpi slt, %add3A_736, %lt3A_742 : vector<16xi32>
        %jit3A_744 = arith.constant -1.000000e+00 : f32
        %broadcast_in_dim3A_745 = vector.broadcast %jit3A_744 : f32 to vector<16xf32>
        %select_n3A_746 = arith.select %lt3A_743, %gather3A_740, %broadcast_in_dim3A_745 : vector<16xi1>, vector<16xf32>
        %mul3A_747 = arith.constant 256 : i32
        %mul3A_748 = arith.muli %scan3A_508, %mul3A_747 : i32
        %add3A_749 = vector.broadcast %mul3A_748 : i32 to vector<16xi32>
        %add3A_750 = arith.addi %add3A_749, %mul3A_5 : vector<16xi32>
        %add3A_751 = arith.constant 14 : i32
        %add3A_752 = vector.broadcast %add3A_751 : i32 to vector<16xi32>
        %add3A_753 = arith.addi %add3A_750, %add3A_752 : vector<16xi32>
        %min3A_754 = arith.constant 1263 : i32
        %min3A_755 = vector.broadcast %min3A_754 : i32 to vector<16xi32>
        %min3A_756 = arith.minsi %add3A_753, %min3A_755 : vector<16xi32>
        %gather3A_757 = tpu.vector_load_idx %arg10[%min3A_756] : memref<1264xf32, #tpu.memory_space<vmem>>[vector<16xi32>], vector<16xf32>,
        %lt3A_758 = arith.constant 1264 : i32
        %lt3A_759 = vector.broadcast %lt3A_758 : i32 to vector<16xi32>
        %lt3A_760 = arith.cmpi slt, %add3A_753, %lt3A_759 : vector<16xi32>
        %jit3A_761 = arith.constant -1.000000e+00 : f32
        %broadcast_in_dim3A_762 = vector.broadcast %jit3A_761 : f32 to vector<16xf32>
        %select_n3A_763 = arith.select %lt3A_760, %gather3A_757, %broadcast_in_dim3A_762 : vector<16xi1>, vector<16xf32>
        %mul3A_764 = arith.constant 256 : i32
        %mul3A_765 = arith.muli %scan3A_508, %mul3A_764 : i32
        %add3A_766 = vector.broadcast %mul3A_765 : i32 to vector<16xi32>
        %add3A_767 = arith.addi %add3A_766, %mul3A_5 : vector<16xi32>
        %add3A_768 = arith.constant 15 : i32
        %add3A_769 = vector.broadcast %add3A_768 : i32 to vector<16xi32>
        %add3A_770 = arith.addi %add3A_767, %add3A_769 : vector<16xi32>
        %min3A_771 = arith.constant 1263 : i32
        %min3A_772 = vector.broadcast %min3A_771 : i32 to vector<16xi32>
        %min3A_773 = arith.minsi %add3A_770, %min3A_772 : vector<16xi32>
        %gather3A_774 = tpu.vector_load_idx %arg10[%min3A_773] : memref<1264xf32, #tpu.memory_space<vmem>>[vector<16xi32>], vector<16xf32>,
        %lt3A_775 = arith.constant 1264 : i32
        %lt3A_776 = vector.broadcast %lt3A_775 : i32 to vector<16xi32>
        %lt3A_777 = arith.cmpi slt, %add3A_770, %lt3A_776 : vector<16xi32>
        %jit3A_778 = arith.constant -1.000000e+00 : f32
        %broadcast_in_dim3A_779 = vector.broadcast %jit3A_778 : f32 to vector<16xf32>
        %select_n3A_780 = arith.select %lt3A_777, %gather3A_774, %broadcast_in_dim3A_779 : vector<16xi1>, vector<16xf32>
        %max3A_781 = arith.maximumf %select_n3A_525, %select_n3A_542 : vector<16xf32>
        %max3A_782 = arith.maximumf %select_n3A_559, %select_n3A_576 : vector<16xf32>
        %max3A_783 = arith.maximumf %select_n3A_593, %select_n3A_610 : vector<16xf32>
        %max3A_784 = arith.maximumf %select_n3A_627, %select_n3A_644 : vector<16xf32>
        %max3A_785 = arith.maximumf %select_n3A_661, %select_n3A_678 : vector<16xf32>
        %max3A_786 = arith.maximumf %select_n3A_695, %select_n3A_712 : vector<16xf32>
        %max3A_787 = arith.maximumf %select_n3A_729, %select_n3A_746 : vector<16xf32>
        %max3A_788 = arith.maximumf %select_n3A_763, %select_n3A_780 : vector<16xf32>
        %max3A_789 = arith.maximumf %max3A_781, %max3A_782 : vector<16xf32>
        %max3A_790 = arith.maximumf %max3A_783, %max3A_784 : vector<16xf32>
        %max3A_791 = arith.maximumf %max3A_785, %max3A_786 : vector<16xf32>
        %max3A_792 = arith.maximumf %max3A_787, %max3A_788 : vector<16xf32>
        %max3A_793 = arith.maximumf %max3A_789, %max3A_790 : vector<16xf32>
        %max3A_794 = arith.maximumf %max3A_791, %max3A_792 : vector<16xf32>
        %max3A_795 = arith.maximumf %max3A_793, %max3A_794 : vector<16xf32>
        %mul3A_796 = arith.constant 16 : i32
        %mul3A_797 = arith.muli %scan3A_508, %mul3A_796 : i32
        %swap3A_798 = arith.index_cast %mul3A_797 : i32 to index
        %swap3A_799 = tpu.vector_load %arg11[%swap3A_798] {strides = array<i32>} : memref<80xf32, #tpu.memory_space<vmem>>, vector<16xf32>,
        tpu.vector_store %arg11[%swap3A_798], %max3A_795 {strides = array<i32>} : memref<80xf32, #tpu.memory_space<vmem>>, vector<16xf32>,
      }
      %scan3A_396 = arith.constant 5 : i32
      %get3A = arith.constant 0 : index
      %get3A_397 = tpu.vector_load %arg11[%get3A] {strides = array<i32>} : memref<80xf32, #tpu.memory_space<vmem>>, vector<16xf32>,
      %get3A_398 = arith.constant 16 : index
      %get3A_399 = tpu.vector_load %arg11[%get3A_398] {strides = array<i32>} : memref<80xf32, #tpu.memory_space<vmem>>, vector<16xf32>,
      %get3A_400 = arith.constant 32 : index
      %get3A_401 = tpu.vector_load %arg11[%get3A_400] {strides = array<i32>} : memref<80xf32, #tpu.memory_space<vmem>>, vector<16xf32>,
      %get3A_402 = arith.constant 48 : index
      %get3A_403 = tpu.vector_load %arg11[%get3A_402] {strides = array<i32>} : memref<80xf32, #tpu.memory_space<vmem>>, vector<16xf32>,
      %get3A_404 = arith.constant 64 : index
      %get3A_405 = tpu.vector_load %arg11[%get3A_404] {strides = array<i32>} : memref<80xf32, #tpu.memory_space<vmem>>, vector<16xf32>,
      %max3A_406 = arith.maximumf %get3A_397, %get3A_399 : vector<16xf32>
      %max3A_407 = arith.maximumf %get3A_401, %get3A_403 : vector<16xf32>
      %max3A_408 = arith.maximumf %max3A_406, %max3A_407 : vector<16xf32>
      %max3A_409 = arith.maximumf %max3A_408, %get3A_405 : vector<16xf32>
      %reduce_max3A = arith.constant true
      %reduce_max3A_410 = vector.broadcast %reduce_max3A : i1 to vector<16xi1>
      %reduce_max3A_411 = tpu.scan <max>, %max3A_409 masked %reduce_max3A_410 : vector<16xf32>, vector<16xi1> -> vector<16xf32>
      %reduce_max3A_412 = vector.extract %reduce_max3A_411[15] : f32 from vector<16xf32>
      %dma_wait3A_413 = arith.constant 0 : i32
      %dma_wait3A_414 = tpu.memref_slice %arg2[%dma_wait3A_413] : memref<80000xf32, #tpu.memory_space<hbm>> -> memref<20000xf32, #tpu.memory_space<hbm>>
      %dma_wait3A_415 = arith.constant 0 : i32
      %dma_wait3A_416 = tpu.memref_slice %arg2[%dma_wait3A_415] : memref<80000xf32, #tpu.memory_space<hbm>> -> memref<20000xf32, #tpu.memory_space<hbm>>
      tpu.wait_dma2 semaphore(%arg20 : memref<!tpu.dma_semaphore, #tpu.memory_space<semaphore_mem>>) src(%dma_wait3A_416 : memref<20000xf32, #tpu.memory_space<hbm>>) dst(%arg5 : memref<20000xf32, #tpu.memory_space<vmem>>)
      %dma_wait3A_417 = arith.constant 20000 : i32
      %dma_wait3A_418 = tpu.memref_slice %arg2[%dma_wait3A_417] : memref<80000xf32, #tpu.memory_space<hbm>> -> memref<20000xf32, #tpu.memory_space<hbm>>
      %dma_wait3A_419 = arith.constant 20000 : i32
      %dma_wait3A_420 = tpu.memref_slice %arg2[%dma_wait3A_419] : memref<80000xf32, #tpu.memory_space<hbm>> -> memref<20000xf32, #tpu.memory_space<hbm>>
      tpu.wait_dma2 semaphore(%arg20 : memref<!tpu.dma_semaphore, #tpu.memory_space<semaphore_mem>>) src(%dma_wait3A_420 : memref<20000xf32, #tpu.memory_space<hbm>>) dst(%arg6 : memref<20000xf32, #tpu.memory_space<vmem>>)
      %dma_wait3A_421 = arith.constant 40000 : i32
      %dma_wait3A_422 = tpu.memref_slice %arg2[%dma_wait3A_421] : memref<80000xf32, #tpu.memory_space<hbm>> -> memref<20000xf32, #tpu.memory_space<hbm>>
      %dma_wait3A_423 = arith.constant 40000 : i32
      %dma_wait3A_424 = tpu.memref_slice %arg2[%dma_wait3A_423] : memref<80000xf32, #tpu.memory_space<hbm>> -> memref<20000xf32, #tpu.memory_space<hbm>>
      tpu.wait_dma2 semaphore(%arg20 : memref<!tpu.dma_semaphore, #tpu.memory_space<semaphore_mem>>) src(%dma_wait3A_424 : memref<20000xf32, #tpu.memory_space<hbm>>) dst(%arg7 : memref<20000xf32, #tpu.memory_space<vmem>>)
      %dma_wait3A_425 = arith.constant 60000 : i32
      %dma_wait3A_426 = tpu.memref_slice %arg2[%dma_wait3A_425] : memref<80000xf32, #tpu.memory_space<hbm>> -> memref<20000xf32, #tpu.memory_space<hbm>>
      %dma_wait3A_427 = arith.constant 60000 : i32
      %dma_wait3A_428 = tpu.memref_slice %arg2[%dma_wait3A_427] : memref<80000xf32, #tpu.memory_space<hbm>> -> memref<20000xf32, #tpu.memory_space<hbm>>
      tpu.wait_dma2 semaphore(%arg20 : memref<!tpu.dma_semaphore, #tpu.memory_space<semaphore_mem>>) src(%dma_wait3A_428 : memref<20000xf32, #tpu.memory_space<hbm>>) dst(%arg8 : memref<20000xf32, #tpu.memory_space<vmem>>)
      %while3A = arith.constant 1073741824 : i32
      %while3A_429 = arith.constant 0 : i32
      %while3A_430:7 = scf.while (%while3A_508 = %while3A_429, %while3A_509 = %reduce_max3A_412, %while3A_510 = %get3A_397, %while3A_511 = %get3A_399, %while3A_512 = %get3A_401, %while3A_513 = %get3A_403, %while3A_514 = %get3A_405) : (i32, f32, vector<16xf32>, vector<16xf32>, vector<16xf32>, vector<16xf32>, vector<16xf32>) -> (i32, f32, vector<16xf32>, vector<16xf32>, vector<16xf32>, vector<16xf32>, vector<16xf32>) {
        %lt3A_515 = arith.constant 100 : i32
        %lt3A_516 = arith.cmpi slt, %while3A_508, %lt3A_515 : i32
        %gt3A_517 = arith.constant 0.000000e+00 : f32
        %gt3A_518 = arith.cmpf ogt, %while3A_509, %gt3A_517 : f32
        %and3A_519 = arith.andi %lt3A_516, %gt3A_518 : i1
        scf.condition(%and3A_519) %while3A_508, %while3A_509, %while3A_510, %while3A_511, %while3A_512, %while3A_513, %while3A_514 : i32, f32, vector<16xf32>, vector<16xf32>, vector<16xf32>, vector<16xf32>, vector<16xf32>
      } do {
      ^bb0(%while3A_508: i32, %while3A_509: f32, %while3A_510: vector<16xf32>, %while3A_511: vector<16xf32>, %while3A_512: vector<16xf32>, %while3A_513: vector<16xf32>, %while3A_514: vector<16xf32>):
        %broadcast_in_dim3A_515 = vector.broadcast %while3A_509 : f32 to vector<16xf32>
        %broadcast_in_dim3A_516 = vector.broadcast %while3A_508 : i32 to vector<16xi32>
        %broadcast_in_dim3A_517 = vector.broadcast %while3A : i32 to vector<16xi32>
        %eq3A_518 = arith.cmpf oeq, %while3A_510, %broadcast_in_dim3A_515 : vector<16xf32>
        %all_reduce_ffs3A = tpu.all_reduce %eq3A_518 {dim = 0 : i64, kind = #tpu.reduction_kind<find_first_set>} : vector<16xi1> -> vector<16xi32>
        %lt3A_519 = arith.constant 16 : i32
        %lt3A_520 = vector.broadcast %lt3A_519 : i32 to vector<16xi32>
        %lt3A_521 = arith.cmpi slt, %all_reduce_ffs3A, %lt3A_520 : vector<16xi32>
        %add3A_522 = arith.constant 0 : i32
        %add3A_523 = vector.broadcast %add3A_522 : i32 to vector<16xi32>
        %add3A_524 = arith.addi %all_reduce_ffs3A, %add3A_523 : vector<16xi32>
        %broadcast_in_dim3A_525 = vector.broadcast %while3A : i32 to vector<16xi32>
        %select_n3A_526 = arith.select %lt3A_521, %add3A_524, %broadcast_in_dim3A_525 : vector<16xi1>, vector<16xi32>
        %min3A_527 = arith.minsi %broadcast_in_dim3A_517, %select_n3A_526 : vector<16xi32>
        %eq3A_528 = arith.cmpf oeq, %while3A_511, %broadcast_in_dim3A_515 : vector<16xf32>
        %all_reduce_ffs3A_529 = tpu.all_reduce %eq3A_528 {dim = 0 : i64, kind = #tpu.reduction_kind<find_first_set>} : vector<16xi1> -> vector<16xi32>
        %lt3A_530 = arith.constant 16 : i32
        %lt3A_531 = vector.broadcast %lt3A_530 : i32 to vector<16xi32>
        %lt3A_532 = arith.cmpi slt, %all_reduce_ffs3A_529, %lt3A_531 : vector<16xi32>
        %add3A_533 = arith.constant 16 : i32
        %add3A_534 = vector.broadcast %add3A_533 : i32 to vector<16xi32>
        %add3A_535 = arith.addi %all_reduce_ffs3A_529, %add3A_534 : vector<16xi32>
        %broadcast_in_dim3A_536 = vector.broadcast %while3A : i32 to vector<16xi32>
        %select_n3A_537 = arith.select %lt3A_532, %add3A_535, %broadcast_in_dim3A_536 : vector<16xi1>, vector<16xi32>
        %min3A_538 = arith.minsi %min3A_527, %select_n3A_537 : vector<16xi32>
        %eq3A_539 = arith.cmpf oeq, %while3A_512, %broadcast_in_dim3A_515 : vector<16xf32>
        %all_reduce_ffs3A_540 = tpu.all_reduce %eq3A_539 {dim = 0 : i64, kind = #tpu.reduction_kind<find_first_set>} : vector<16xi1> -> vector<16xi32>
        %lt3A_541 = arith.constant 16 : i32
        %lt3A_542 = vector.broadcast %lt3A_541 : i32 to vector<16xi32>
        %lt3A_543 = arith.cmpi slt, %all_reduce_ffs3A_540, %lt3A_542 : vector<16xi32>
        %add3A_544 = arith.constant 32 : i32
        %add3A_545 = vector.broadcast %add3A_544 : i32 to vector<16xi32>
        %add3A_546 = arith.addi %all_reduce_ffs3A_540, %add3A_545 : vector<16xi32>
        %broadcast_in_dim3A_547 = vector.broadcast %while3A : i32 to vector<16xi32>
        %select_n3A_548 = arith.select %lt3A_543, %add3A_546, %broadcast_in_dim3A_547 : vector<16xi1>, vector<16xi32>
        %min3A_549 = arith.minsi %min3A_538, %select_n3A_548 : vector<16xi32>
        %eq3A_550 = arith.cmpf oeq, %while3A_513, %broadcast_in_dim3A_515 : vector<16xf32>
        %all_reduce_ffs3A_551 = tpu.all_reduce %eq3A_550 {dim = 0 : i64, kind = #tpu.reduction_kind<find_first_set>} : vector<16xi1> -> vector<16xi32>
        %lt3A_552 = arith.constant 16 : i32
        %lt3A_553 = vector.broadcast %lt3A_552 : i32 to vector<16xi32>
        %lt3A_554 = arith.cmpi slt, %all_reduce_ffs3A_551, %lt3A_553 : vector<16xi32>
        %add3A_555 = arith.constant 48 : i32
        %add3A_556 = vector.broadcast %add3A_555 : i32 to vector<16xi32>
        %add3A_557 = arith.addi %all_reduce_ffs3A_551, %add3A_556 : vector<16xi32>
        %broadcast_in_dim3A_558 = vector.broadcast %while3A : i32 to vector<16xi32>
        %select_n3A_559 = arith.select %lt3A_554, %add3A_557, %broadcast_in_dim3A_558 : vector<16xi1>, vector<16xi32>
        %min3A_560 = arith.minsi %min3A_549, %select_n3A_559 : vector<16xi32>
        %eq3A_561 = arith.cmpf oeq, %while3A_514, %broadcast_in_dim3A_515 : vector<16xf32>
        %all_reduce_ffs3A_562 = tpu.all_reduce %eq3A_561 {dim = 0 : i64, kind = #tpu.reduction_kind<find_first_set>} : vector<16xi1> -> vector<16xi32>
        %lt3A_563 = arith.constant 16 : i32
        %lt3A_564 = vector.broadcast %lt3A_563 : i32 to vector<16xi32>
        %lt3A_565 = arith.cmpi slt, %all_reduce_ffs3A_562, %lt3A_564 : vector<16xi32>
        %add3A_566 = arith.constant 64 : i32
        %add3A_567 = vector.broadcast %add3A_566 : i32 to vector<16xi32>
        %add3A_568 = arith.addi %all_reduce_ffs3A_562, %add3A_567 : vector<16xi32>
        %broadcast_in_dim3A_569 = vector.broadcast %while3A : i32 to vector<16xi32>
        %select_n3A_570 = arith.select %lt3A_565, %add3A_568, %broadcast_in_dim3A_569 : vector<16xi1>, vector<16xi32>
        %min3A_571 = arith.minsi %min3A_560, %select_n3A_570 : vector<16xi32>
        %mul3A_572 = arith.constant 16 : i32
        %mul3A_573 = vector.broadcast %mul3A_572 : i32 to vector<16xi32>
        %mul3A_574 = arith.muli %min3A_571, %mul3A_573 : vector<16xi32>
        %add3A_575 = arith.addi %mul3A_574, %iota3A : vector<16xi32>
        %gather3A_576 = tpu.vector_load_idx %arg10[%add3A_575] : memref<1264xf32, #tpu.memory_space<vmem>>[vector<16xi32>], vector<16xf32>,
        %eq3A_577 = arith.cmpf oeq, %gather3A_576, %broadcast_in_dim3A_515 : vector<16xf32>
        %all_reduce_ffs3A_578 = tpu.all_reduce %eq3A_577 {dim = 0 : i64, kind = #tpu.reduction_kind<find_first_set>} : vector<16xi1> -> vector<16xi32>
        %mul3A_579 = arith.constant 16 : i32
        %mul3A_580 = vector.broadcast %mul3A_579 : i32 to vector<16xi32>
        %mul3A_581 = arith.muli %min3A_571, %mul3A_580 : vector<16xi32>
        %add3A_582 = arith.addi %mul3A_581, %all_reduce_ffs3A_578 : vector<16xi32>
        %mul3A_583 = arith.constant 16 : i32
        %mul3A_584 = vector.broadcast %mul3A_583 : i32 to vector<16xi32>
        %mul3A_585 = arith.muli %add3A_582, %mul3A_584 : vector<16xi32>
        %add3A_586 = arith.addi %mul3A_585, %iota3A : vector<16xi32>
        %gather3A_587 = tpu.vector_load_idx %arg9[%add3A_586] : memref<20000xf32, #tpu.memory_space<vmem>>[vector<16xi32>], vector<16xf32>,
        %gt3A_588 = arith.constant 5.000000e-02 : f32
        %gt3A_589 = vector.broadcast %gt3A_588 : f32 to vector<16xf32>
        %gt3A_590 = arith.cmpf ogt, %gather3A_587, %gt3A_589 : vector<16xf32>
        %jit3A_591 = arith.constant -1.000000e+00 : f32
        %broadcast_in_dim3A_592 = vector.broadcast %jit3A_591 : f32 to vector<16xf32>
        %select_n3A_593 = arith.select %gt3A_590, %gather3A_587, %broadcast_in_dim3A_592 : vector<16xi1>, vector<16xf32>
        %eq3A_594 = arith.cmpf oeq, %select_n3A_593, %broadcast_in_dim3A_515 : vector<16xf32>
        %all_reduce_ffs3A_595 = tpu.all_reduce %eq3A_594 {dim = 0 : i64, kind = #tpu.reduction_kind<find_first_set>} : vector<16xi1> -> vector<16xi32>
        %mul3A_596 = arith.constant 16 : i32
        %mul3A_597 = vector.broadcast %mul3A_596 : i32 to vector<16xi32>
        %mul3A_598 = arith.muli %add3A_582, %mul3A_597 : vector<16xi32>
        %add3A_599 = arith.addi %mul3A_598, %all_reduce_ffs3A_595 : vector<16xi32>
        %gather3A_600 = tpu.vector_load_idx %arg5[%add3A_599] : memref<20000xf32, #tpu.memory_space<vmem>>[vector<16xi32>], vector<16xf32>,
        %gather3A_601 = tpu.vector_load_idx %arg6[%add3A_599] : memref<20000xf32, #tpu.memory_space<vmem>>[vector<16xi32>], vector<16xf32>,
        %gather3A_602 = tpu.vector_load_idx %arg7[%add3A_599] : memref<20000xf32, #tpu.memory_space<vmem>>[vector<16xi32>], vector<16xf32>,
        %gather3A_603 = tpu.vector_load_idx %arg8[%add3A_599] : memref<20000xf32, #tpu.memory_space<vmem>>[vector<16xi32>], vector<16xf32>,
        %sub3A = arith.subf %gather3A_602, %gather3A_600 : vector<16xf32>
        %max3A_604 = arith.constant 0.000000e+00 : f32
        %max3A_605 = vector.broadcast %max3A_604 : f32 to vector<16xf32>
        %max3A_606 = arith.maximumf %sub3A, %max3A_605 : vector<16xf32>
        %sub3A_607 = arith.subf %gather3A_603, %gather3A_601 : vector<16xf32>
        %max3A_608 = arith.constant 0.000000e+00 : f32
        %max3A_609 = vector.broadcast %max3A_608 : f32 to vector<16xf32>
        %max3A_610 = arith.maximumf %sub3A_607, %max3A_609 : vector<16xf32>
        %mul3A_611 = arith.mulf %max3A_606, %max3A_610 : vector<16xf32>
        %add3A_612 = arith.constant 15 : i32
        %add3A_613 = arith.addi %while3A_508, %add3A_612 : i32
        %shift_right_arithmetic3A = arith.constant 4 : i32
        %shift_right_arithmetic3A_614 = arith.shrsi %add3A_613, %shift_right_arithmetic3A : i32
        %broadcast_in_dim3A_615 = arith.constant false
        %broadcast_in_dim3A_616 = vector.broadcast %broadcast_in_dim3A_615 : i1 to vector<16xi1>
        %while3A_617 = arith.constant 0 : i32
        %while3A_618 = arith.subi %shift_right_arithmetic3A_614, %while3A_617 : i32
        %while3A_619 = arith.addi %while3A_617, %while3A_618 : i32
        %while3A_620 = arith.constant 1 : i32
        %while3A_621 = arith.divsi %while3A_618, %while3A_620 : i32
        %while3A_622 = arith.muli %while3A_621, %while3A_620 : i32
        %while3A_623 = arith.addi %while3A_617, %while3A_622 : i32
        %while3A_624 = arith.constant 1 : i32
        %while3A_625 = scf.for %while3A_739 = %while3A_617 to %while3A_623 step %while3A_624 iter_args(%while3A_740 = %broadcast_in_dim3A_616) -> (vector<16xi1>)  : i32 {
          %mul3A_741 = arith.constant 16 : i32
          %mul3A_742 = arith.muli %while3A_739, %mul3A_741 : i32
          %get3A_743 = arith.index_cast %mul3A_742 : i32 to index
          %get3A_744 = tpu.vector_load %arg12[%get3A_743] {strides = array<i32>} : memref<112xf32, #tpu.memory_space<vmem>>, vector<16xf32>,
          %mul3A_745 = arith.constant 16 : i32
          %mul3A_746 = arith.muli %while3A_739, %mul3A_745 : i32
          %get3A_747 = arith.index_cast %mul3A_746 : i32 to index
          %get3A_748 = tpu.vector_load %arg13[%get3A_747] {strides = array<i32>} : memref<112xf32, #tpu.memory_space<vmem>>, vector<16xf32>,
          %mul3A_749 = arith.constant 16 : i32
          %mul3A_750 = arith.muli %while3A_739, %mul3A_749 : i32
          %get3A_751 = arith.index_cast %mul3A_750 : i32 to index
          %get3A_752 = tpu.vector_load %arg14[%get3A_751] {strides = array<i32>} : memref<112xf32, #tpu.memory_space<vmem>>, vector<16xf32>,
          %mul3A_753 = arith.constant 16 : i32
          %mul3A_754 = arith.muli %while3A_739, %mul3A_753 : i32
          %get3A_755 = arith.index_cast %mul3A_754 : i32 to index
          %get3A_756 = tpu.vector_load %arg15[%get3A_755] {strides = array<i32>} : memref<112xf32, #tpu.memory_space<vmem>>, vector<16xf32>,
          %max3A_757 = arith.maximumf %gather3A_600, %get3A_744 : vector<16xf32>
          %max3A_758 = arith.maximumf %gather3A_601, %get3A_748 : vector<16xf32>
          %min3A_759 = arith.minimumf %gather3A_602, %get3A_752 : vector<16xf32>
          %min3A_760 = arith.minimumf %gather3A_603, %get3A_756 : vector<16xf32>
          %sub3A_761 = arith.subf %min3A_759, %max3A_757 : vector<16xf32>
          %max3A_762 = arith.constant 0.000000e+00 : f32
          %max3A_763 = vector.broadcast %max3A_762 : f32 to vector<16xf32>
          %max3A_764 = arith.maximumf %sub3A_761, %max3A_763 : vector<16xf32>
          %sub3A_765 = arith.subf %min3A_760, %max3A_758 : vector<16xf32>
          %max3A_766 = arith.constant 0.000000e+00 : f32
          %max3A_767 = vector.broadcast %max3A_766 : f32 to vector<16xf32>
          %max3A_768 = arith.maximumf %sub3A_765, %max3A_767 : vector<16xf32>
          %mul3A_769 = arith.mulf %max3A_764, %max3A_768 : vector<16xf32>
          %mul3A_770 = arith.constant 16 : i32
          %mul3A_771 = arith.muli %while3A_739, %mul3A_770 : i32
          %get3A_772 = arith.index_cast %mul3A_771 : i32 to index
          %get3A_773 = tpu.vector_load %arg16[%get3A_772] {strides = array<i32>} : memref<112xf32, #tpu.memory_space<vmem>>, vector<16xf32>,
          %add3A_774 = arith.addf %mul3A_611, %get3A_773 : vector<16xf32>
          %sub3A_775 = arith.subf %add3A_774, %mul3A_769 : vector<16xf32>
          %add3A_776 = arith.constant 9.99999993E-9 : f32
          %add3A_777 = vector.broadcast %add3A_776 : f32 to vector<16xf32>
          %add3A_778 = arith.addf %sub3A_775, %add3A_777 : vector<16xf32>
          %div3A = arith.divf %mul3A_769, %add3A_778 : vector<16xf32>
          %gt3A_779 = arith.constant 5.000000e-01 : f32
          %gt3A_780 = vector.broadcast %gt3A_779 : f32 to vector<16xf32>
          %gt3A_781 = arith.cmpf ogt, %div3A, %gt3A_780 : vector<16xf32>
          %mul3A_782 = arith.constant 16 : i32
          %mul3A_783 = arith.muli %while3A_739, %mul3A_782 : i32
          %add3A_784 = vector.broadcast %mul3A_783 : i32 to vector<16xi32>
          %add3A_785 = arith.addi %iota3A, %add3A_784 : vector<16xi32>
          %lt3A_786 = arith.cmpi slt, %add3A_785, %broadcast_in_dim3A_516 : vector<16xi32>
          %and3A_787 = arith.andi %gt3A_781, %lt3A_786 : vector<16xi1>
          %or3A = arith.ori %while3A_740, %and3A_787 : vector<16xi1>
          scf.yield %or3A : vector<16xi1>
        }
        %while3A_626 = arith.constant 1 : i32
        %while3A_627 = scf.for %while3A_739 = %while3A_623 to %while3A_619 step %while3A_626 iter_args(%while3A_740 = %while3A_625) -> (vector<16xi1>)  : i32 {
          %mul3A_741 = arith.constant 16 : i32
          %mul3A_742 = arith.muli %while3A_739, %mul3A_741 : i32
          %get3A_743 = arith.index_cast %mul3A_742 : i32 to index
          %get3A_744 = tpu.vector_load %arg12[%get3A_743] {strides = array<i32>} : memref<112xf32, #tpu.memory_space<vmem>>, vector<16xf32>,
          %mul3A_745 = arith.constant 16 : i32
          %mul3A_746 = arith.muli %while3A_739, %mul3A_745 : i32
          %get3A_747 = arith.index_cast %mul3A_746 : i32 to index
          %get3A_748 = tpu.vector_load %arg13[%get3A_747] {strides = array<i32>} : memref<112xf32, #tpu.memory_space<vmem>>, vector<16xf32>,
          %mul3A_749 = arith.constant 16 : i32
          %mul3A_750 = arith.muli %while3A_739, %mul3A_749 : i32
          %get3A_751 = arith.index_cast %mul3A_750 : i32 to index
          %get3A_752 = tpu.vector_load %arg14[%get3A_751] {strides = array<i32>} : memref<112xf32, #tpu.memory_space<vmem>>, vector<16xf32>,
          %mul3A_753 = arith.constant 16 : i32
          %mul3A_754 = arith.muli %while3A_739, %mul3A_753 : i32
          %get3A_755 = arith.index_cast %mul3A_754 : i32 to index
          %get3A_756 = tpu.vector_load %arg15[%get3A_755] {strides = array<i32>} : memref<112xf32, #tpu.memory_space<vmem>>, vector<16xf32>,
          %max3A_757 = arith.maximumf %gather3A_600, %get3A_744 : vector<16xf32>
          %max3A_758 = arith.maximumf %gather3A_601, %get3A_748 : vector<16xf32>
          %min3A_759 = arith.minimumf %gather3A_602, %get3A_752 : vector<16xf32>
          %min3A_760 = arith.minimumf %gather3A_603, %get3A_756 : vector<16xf32>
          %sub3A_761 = arith.subf %min3A_759, %max3A_757 : vector<16xf32>
          %max3A_762 = arith.constant 0.000000e+00 : f32
          %max3A_763 = vector.broadcast %max3A_762 : f32 to vector<16xf32>
          %max3A_764 = arith.maximumf %sub3A_761, %max3A_763 : vector<16xf32>
          %sub3A_765 = arith.subf %min3A_760, %max3A_758 : vector<16xf32>
          %max3A_766 = arith.constant 0.000000e+00 : f32
          %max3A_767 = vector.broadcast %max3A_766 : f32 to vector<16xf32>
          %max3A_768 = arith.maximumf %sub3A_765, %max3A_767 : vector<16xf32>
          %mul3A_769 = arith.mulf %max3A_764, %max3A_768 : vector<16xf32>
          %mul3A_770 = arith.constant 16 : i32
          %mul3A_771 = arith.muli %while3A_739, %mul3A_770 : i32
          %get3A_772 = arith.index_cast %mul3A_771 : i32 to index
          %get3A_773 = tpu.vector_load %arg16[%get3A_772] {strides = array<i32>} : memref<112xf32, #tpu.memory_space<vmem>>, vector<16xf32>,
          %add3A_774 = arith.addf %mul3A_611, %get3A_773 : vector<16xf32>
          %sub3A_775 = arith.subf %add3A_774, %mul3A_769 : vector<16xf32>
          %add3A_776 = arith.constant 9.99999993E-9 : f32
          %add3A_777 = vector.broadcast %add3A_776 : f32 to vector<16xf32>
          %add3A_778 = arith.addf %sub3A_775, %add3A_777 : vector<16xf32>
          %div3A = arith.divf %mul3A_769, %add3A_778 : vector<16xf32>
          %gt3A_779 = arith.constant 5.000000e-01 : f32
          %gt3A_780 = vector.broadcast %gt3A_779 : f32 to vector<16xf32>
          %gt3A_781 = arith.cmpf ogt, %div3A, %gt3A_780 : vector<16xf32>
          %mul3A_782 = arith.constant 16 : i32
          %mul3A_783 = arith.muli %while3A_739, %mul3A_782 : i32
          %add3A_784 = vector.broadcast %mul3A_783 : i32 to vector<16xi32>
          %add3A_785 = arith.addi %iota3A, %add3A_784 : vector<16xi32>
          %lt3A_786 = arith.cmpi slt, %add3A_785, %broadcast_in_dim3A_516 : vector<16xi32>
          %and3A_787 = arith.andi %gt3A_781, %lt3A_786 : vector<16xi1>
          %or3A = arith.ori %while3A_740, %and3A_787 : vector<16xi1>
          scf.yield %or3A : vector<16xi1>
        }
        %jit3A_628 = arith.constant 1 : i32
        %jit3A_629 = arith.constant 0 : i32
        %broadcast_in_dim3A_630 = vector.broadcast %jit3A_628 : i32 to vector<16xi32>
        %broadcast_in_dim3A_631 = vector.broadcast %jit3A_629 : i32 to vector<16xi32>
        %select_n3A_632 = arith.select %while3A_627, %broadcast_in_dim3A_630, %broadcast_in_dim3A_631 : vector<16xi1>, vector<16xi32>
        %reduce_max3A_633 = arith.constant true
        %reduce_max3A_634 = vector.broadcast %reduce_max3A_633 : i1 to vector<16xi1>
        %reduce_max3A_635 = arith.constant -2147483648 : i32
        %reduce_max3A_636 = vector.broadcast %reduce_max3A_635 : i32 to vector<16xi32>
        %reduce_max3A_637 = arith.xori %select_n3A_632, %reduce_max3A_636 : vector<16xi32>
        %reduce_max3A_638 = tpu.scan <max>, %reduce_max3A_637 masked %reduce_max3A_634 : vector<16xi32>, vector<16xi1> -> vector<16xi32>
        %reduce_max3A_639 = arith.xori %reduce_max3A_638, %reduce_max3A_636 : vector<16xi32>
        %reduce_max3A_640 = vector.extract %reduce_max3A_639[15] : i32 from vector<16xi32>
        %eq3A_641 = arith.constant 0 : i32
        %eq3A_642 = arith.cmpi eq, %reduce_max3A_640, %eq3A_641 : i32
        %broadcast_in_dim3A_643 = vector.broadcast %eq3A_642 : i1 to vector<16xi1>
        %and3A_644 = arith.andi %eq3A_7, %broadcast_in_dim3A_643 : vector<16xi1>
        tpu.vector_store_idx %arg12[%broadcast_in_dim3A_516], %gather3A_600 masked %and3A_644 : memref<112xf32, #tpu.memory_space<vmem>>[vector<16xi32>], vector<16xf32>, vector<16xi1>
        tpu.vector_store_idx %arg13[%broadcast_in_dim3A_516], %gather3A_601 masked %and3A_644 : memref<112xf32, #tpu.memory_space<vmem>>[vector<16xi32>], vector<16xf32>, vector<16xi1>
        tpu.vector_store_idx %arg14[%broadcast_in_dim3A_516], %gather3A_602 masked %and3A_644 : memref<112xf32, #tpu.memory_space<vmem>>[vector<16xi32>], vector<16xf32>, vector<16xi1>
        tpu.vector_store_idx %arg15[%broadcast_in_dim3A_516], %gather3A_603 masked %and3A_644 : memref<112xf32, #tpu.memory_space<vmem>>[vector<16xi32>], vector<16xf32>, vector<16xi1>
        tpu.vector_store_idx %arg16[%broadcast_in_dim3A_516], %mul3A_611 masked %and3A_644 : memref<112xf32, #tpu.memory_space<vmem>>[vector<16xi32>], vector<16xf32>, vector<16xi1>
        tpu.vector_store_idx %arg17[%broadcast_in_dim3A_516], %add3A_599 masked %and3A_644 : memref<112xi32, #tpu.memory_space<vmem>>[vector<16xi32>], vector<16xi32>, vector<16xi1>
        tpu.vector_store_idx %arg18[%broadcast_in_dim3A_516], %broadcast_in_dim3A_515 masked %and3A_644 : memref<112xf32, #tpu.memory_space<vmem>>[vector<16xi32>], vector<16xf32>, vector<16xi1>
        tpu.vector_store_idx %arg9[%add3A_599], %broadcast_in_dim3A_8 masked %eq3A_7 : memref<20000xf32, #tpu.memory_space<vmem>>[vector<16xi32>], vector<16xf32>, vector<16xi1>
        %eq3A_645 = arith.cmpi eq, %iota3A, %all_reduce_ffs3A_595 : vector<16xi32>
        %jit3A_646 = arith.constant -1.000000e+00 : f32
        %broadcast_in_dim3A_647 = vector.broadcast %jit3A_646 : f32 to vector<16xf32>
        %select_n3A_648 = arith.select %eq3A_645, %broadcast_in_dim3A_647, %select_n3A_593 : vector<16xi1>, vector<16xf32>
        %reduce_max3A_649 = arith.constant true
        %reduce_max3A_650 = vector.broadcast %reduce_max3A_649 : i1 to vector<16xi1>
        %reduce_max3A_651 = tpu.scan <max>, %select_n3A_648 masked %reduce_max3A_650 : vector<16xf32>, vector<16xi1> -> vector<16xf32>
        %reduce_max3A_652 = vector.extract %reduce_max3A_651[15] : f32 from vector<16xf32>
        %eq3A_653 = arith.cmpi eq, %iota3A, %all_reduce_ffs3A_578 : vector<16xi32>
        %jit3A_654 = arith.constant -1.000000e+00 : f32
        %broadcast_in_dim3A_655 = vector.broadcast %jit3A_654 : f32 to vector<16xf32>
        %select_n3A_656 = arith.select %eq3A_653, %broadcast_in_dim3A_655, %gather3A_576 : vector<16xi1>, vector<16xf32>
        %reduce_max3A_657 = arith.constant true
        %reduce_max3A_658 = vector.broadcast %reduce_max3A_657 : i1 to vector<16xi1>
        %reduce_max3A_659 = tpu.scan <max>, %select_n3A_656 masked %reduce_max3A_658 : vector<16xf32>, vector<16xi1> -> vector<16xf32>
        %reduce_max3A_660 = vector.extract %reduce_max3A_659[15] : f32 from vector<16xf32>
        %add3A_661 = arith.constant 0 : i32
        %add3A_662 = vector.broadcast %add3A_661 : i32 to vector<16xi32>
        %add3A_663 = arith.addi %iota3A, %add3A_662 : vector<16xi32>
        %eq3A_664 = arith.cmpi eq, %add3A_663, %min3A_571 : vector<16xi32>
        %jit3A_665 = arith.constant -1.000000e+00 : f32
        %broadcast_in_dim3A_666 = vector.broadcast %jit3A_665 : f32 to vector<16xf32>
        %select_n3A_667 = arith.select %eq3A_664, %broadcast_in_dim3A_666, %while3A_510 : vector<16xi1>, vector<16xf32>
        %add3A_668 = arith.constant 16 : i32
        %add3A_669 = vector.broadcast %add3A_668 : i32 to vector<16xi32>
        %add3A_670 = arith.addi %iota3A, %add3A_669 : vector<16xi32>
        %eq3A_671 = arith.cmpi eq, %add3A_670, %min3A_571 : vector<16xi32>
        %jit3A_672 = arith.constant -1.000000e+00 : f32
        %broadcast_in_dim3A_673 = vector.broadcast %jit3A_672 : f32 to vector<16xf32>
        %select_n3A_674 = arith.select %eq3A_671, %broadcast_in_dim3A_673, %while3A_511 : vector<16xi1>, vector<16xf32>
        %add3A_675 = arith.constant 32 : i32
        %add3A_676 = vector.broadcast %add3A_675 : i32 to vector<16xi32>
        %add3A_677 = arith.addi %iota3A, %add3A_676 : vector<16xi32>
        %eq3A_678 = arith.cmpi eq, %add3A_677, %min3A_571 : vector<16xi32>
        %jit3A_679 = arith.constant -1.000000e+00 : f32
        %broadcast_in_dim3A_680 = vector.broadcast %jit3A_679 : f32 to vector<16xf32>
        %select_n3A_681 = arith.select %eq3A_678, %broadcast_in_dim3A_680, %while3A_512 : vector<16xi1>, vector<16xf32>
        %add3A_682 = arith.constant 48 : i32
        %add3A_683 = vector.broadcast %add3A_682 : i32 to vector<16xi32>
        %add3A_684 = arith.addi %iota3A, %add3A_683 : vector<16xi32>
        %eq3A_685 = arith.cmpi eq, %add3A_684, %min3A_571 : vector<16xi32>
        %jit3A_686 = arith.constant -1.000000e+00 : f32
        %broadcast_in_dim3A_687 = vector.broadcast %jit3A_686 : f32 to vector<16xf32>
        %select_n3A_688 = arith.select %eq3A_685, %broadcast_in_dim3A_687, %while3A_513 : vector<16xi1>, vector<16xf32>
        %add3A_689 = arith.constant 64 : i32
        %add3A_690 = vector.broadcast %add3A_689 : i32 to vector<16xi32>
        %add3A_691 = arith.addi %iota3A, %add3A_690 : vector<16xi32>
        %eq3A_692 = arith.cmpi eq, %add3A_691, %min3A_571 : vector<16xi32>
        %jit3A_693 = arith.constant -1.000000e+00 : f32
        %broadcast_in_dim3A_694 = vector.broadcast %jit3A_693 : f32 to vector<16xf32>
        %select_n3A_695 = arith.select %eq3A_692, %broadcast_in_dim3A_694, %while3A_514 : vector<16xi1>, vector<16xf32>
        %max3A_696 = arith.maximumf %select_n3A_667, %select_n3A_674 : vector<16xf32>
        %max3A_697 = arith.maximumf %select_n3A_681, %select_n3A_688 : vector<16xf32>
        %max3A_698 = arith.maximumf %max3A_696, %max3A_697 : vector<16xf32>
        %max3A_699 = arith.maximumf %max3A_698, %select_n3A_695 : vector<16xf32>
        %reduce_max3A_700 = arith.constant true
        %reduce_max3A_701 = vector.broadcast %reduce_max3A_700 : i1 to vector<16xi1>
        %reduce_max3A_702 = tpu.scan <max>, %max3A_699 masked %reduce_max3A_701 : vector<16xf32>, vector<16xi1> -> vector<16xf32>
        %reduce_max3A_703 = vector.extract %reduce_max3A_702[15] : f32 from vector<16xf32>
        %max3A_704 = arith.maximumf %reduce_max3A_660, %reduce_max3A_652 : f32
        %max3A_705 = arith.maximumf %reduce_max3A_703, %max3A_704 : f32
        %broadcast_in_dim3A_706 = vector.broadcast %reduce_max3A_652 : f32 to vector<16xf32>
        tpu.vector_store_idx %arg10[%add3A_582], %broadcast_in_dim3A_706 masked %eq3A_7 : memref<1264xf32, #tpu.memory_space<vmem>>[vector<16xi32>], vector<16xf32>, vector<16xi1>
        %broadcast_in_dim3A_707 = vector.broadcast %max3A_704 : f32 to vector<16xf32>
        %add3A_708 = arith.constant 0 : i32
        %add3A_709 = vector.broadcast %add3A_708 : i32 to vector<16xi32>
        %add3A_710 = arith.addi %iota3A, %add3A_709 : vector<16xi32>
        %eq3A_711 = arith.cmpi eq, %add3A_710, %min3A_571 : vector<16xi32>
        %select_n3A_712 = arith.select %eq3A_711, %broadcast_in_dim3A_707, %while3A_510 : vector<16xi1>, vector<16xf32>
        %add3A_713 = arith.constant 16 : i32
        %add3A_714 = vector.broadcast %add3A_713 : i32 to vector<16xi32>
        %add3A_715 = arith.addi %iota3A, %add3A_714 : vector<16xi32>
        %eq3A_716 = arith.cmpi eq, %add3A_715, %min3A_571 : vector<16xi32>
        %select_n3A_717 = arith.select %eq3A_716, %broadcast_in_dim3A_707, %while3A_511 : vector<16xi1>, vector<16xf32>
        %add3A_718 = arith.constant 32 : i32
        %add3A_719 = vector.broadcast %add3A_718 : i32 to vector<16xi32>
        %add3A_720 = arith.addi %iota3A, %add3A_719 : vector<16xi32>
        %eq3A_721 = arith.cmpi eq, %add3A_720, %min3A_571 : vector<16xi32>
        %select_n3A_722 = arith.select %eq3A_721, %broadcast_in_dim3A_707, %while3A_512 : vector<16xi1>, vector<16xf32>
        %add3A_723 = arith.constant 48 : i32
        %add3A_724 = vector.broadcast %add3A_723 : i32 to vector<16xi32>
        %add3A_725 = arith.addi %iota3A, %add3A_724 : vector<16xi32>
        %eq3A_726 = arith.cmpi eq, %add3A_725, %min3A_571 : vector<16xi32>
        %select_n3A_727 = arith.select %eq3A_726, %broadcast_in_dim3A_707, %while3A_513 : vector<16xi1>, vector<16xf32>
        %add3A_728 = arith.constant 64 : i32
        %add3A_729 = vector.broadcast %add3A_728 : i32 to vector<16xi32>
        %add3A_730 = arith.addi %iota3A, %add3A_729 : vector<16xi32>
        %eq3A_731 = arith.cmpi eq, %add3A_730, %min3A_571 : vector<16xi32>
        %select_n3A_732 = arith.select %eq3A_731, %broadcast_in_dim3A_707, %while3A_514 : vector<16xi1>, vector<16xf32>
        %eq3A_733 = arith.constant 0 : i32
        %eq3A_734 = arith.cmpi eq, %reduce_max3A_640, %eq3A_733 : i32
        %jit3A_735 = arith.constant 1 : i32
        %jit3A_736 = arith.constant 0 : i32
        %select_n3A_737 = arith.select %eq3A_734, %jit3A_735, %jit3A_736 : i32
        %add3A_738 = arith.addi %while3A_508, %select_n3A_737 : i32
        scf.yield %add3A_738, %max3A_705, %select_n3A_712, %select_n3A_717, %select_n3A_722, %select_n3A_727, %select_n3A_732 : i32, f32, vector<16xf32>, vector<16xf32>, vector<16xf32>, vector<16xf32>, vector<16xf32>
      }
      %broadcast_in_dim3A_431 = arith.constant 0.000000e+00 : f32
      %broadcast_in_dim3A_432 = vector.broadcast %broadcast_in_dim3A_431 : f32 to vector<16xf32>
      %scan3A_433 = arith.constant 0 : i32
      %scan3A_434 = arith.constant 0 : i32
      %scan3A_435 = arith.constant 156 : i32
      %scan3A_436 = arith.addi %scan3A_434, %scan3A_435 : i32
      %scan3A_437 = arith.constant 1 : i32
      scf.for %scan3A_508 = %scan3A_434 to %scan3A_436 step %scan3A_437  : i32 {
        %mul3A_509 = arith.constant 128 : i32
        %mul3A_510 = arith.muli %scan3A_508, %mul3A_509 : i32
        %add3A_511 = arith.constant 0 : i32
        %add3A_512 = arith.addi %mul3A_510, %add3A_511 : i32
        %swap3A_513 = arith.index_cast %add3A_512 : i32 to index
        %swap3A_514 = tpu.vector_load %arg9[%swap3A_513] {strides = array<i32>} : memref<20000xf32, #tpu.memory_space<vmem>>, vector<16xf32>,
        tpu.vector_store %arg9[%swap3A_513], %broadcast_in_dim3A_432 {strides = array<i32>} : memref<20000xf32, #tpu.memory_space<vmem>>, vector<16xf32>,
        %mul3A_515 = arith.constant 128 : i32
        %mul3A_516 = arith.muli %scan3A_508, %mul3A_515 : i32
        %add3A_517 = arith.constant 16 : i32
        %add3A_518 = arith.addi %mul3A_516, %add3A_517 : i32
        %swap3A_519 = arith.index_cast %add3A_518 : i32 to index
        %swap3A_520 = tpu.vector_load %arg9[%swap3A_519] {strides = array<i32>} : memref<20000xf32, #tpu.memory_space<vmem>>, vector<16xf32>,
        tpu.vector_store %arg9[%swap3A_519], %broadcast_in_dim3A_432 {strides = array<i32>} : memref<20000xf32, #tpu.memory_space<vmem>>, vector<16xf32>,
        %mul3A_521 = arith.constant 128 : i32
        %mul3A_522 = arith.muli %scan3A_508, %mul3A_521 : i32
        %add3A_523 = arith.constant 32 : i32
        %add3A_524 = arith.addi %mul3A_522, %add3A_523 : i32
        %swap3A_525 = arith.index_cast %add3A_524 : i32 to index
        %swap3A_526 = tpu.vector_load %arg9[%swap3A_525] {strides = array<i32>} : memref<20000xf32, #tpu.memory_space<vmem>>, vector<16xf32>,
        tpu.vector_store %arg9[%swap3A_525], %broadcast_in_dim3A_432 {strides = array<i32>} : memref<20000xf32, #tpu.memory_space<vmem>>, vector<16xf32>,
        %mul3A_527 = arith.constant 128 : i32
        %mul3A_528 = arith.muli %scan3A_508, %mul3A_527 : i32
        %add3A_529 = arith.constant 48 : i32
        %add3A_530 = arith.addi %mul3A_528, %add3A_529 : i32
        %swap3A_531 = arith.index_cast %add3A_530 : i32 to index
        %swap3A_532 = tpu.vector_load %arg9[%swap3A_531] {strides = array<i32>} : memref<20000xf32, #tpu.memory_space<vmem>>, vector<16xf32>,
        tpu.vector_store %arg9[%swap3A_531], %broadcast_in_dim3A_432 {strides = array<i32>} : memref<20000xf32, #tpu.memory_space<vmem>>, vector<16xf32>,
        %mul3A_533 = arith.constant 128 : i32
        %mul3A_534 = arith.muli %scan3A_508, %mul3A_533 : i32
        %add3A_535 = arith.constant 64 : i32
        %add3A_536 = arith.addi %mul3A_534, %add3A_535 : i32
        %swap3A_537 = arith.index_cast %add3A_536 : i32 to index
        %swap3A_538 = tpu.vector_load %arg9[%swap3A_537] {strides = array<i32>} : memref<20000xf32, #tpu.memory_space<vmem>>, vector<16xf32>,
        tpu.vector_store %arg9[%swap3A_537], %broadcast_in_dim3A_432 {strides = array<i32>} : memref<20000xf32, #tpu.memory_space<vmem>>, vector<16xf32>,
        %mul3A_539 = arith.constant 128 : i32
        %mul3A_540 = arith.muli %scan3A_508, %mul3A_539 : i32
        %add3A_541 = arith.constant 80 : i32
        %add3A_542 = arith.addi %mul3A_540, %add3A_541 : i32
        %swap3A_543 = arith.index_cast %add3A_542 : i32 to index
        %swap3A_544 = tpu.vector_load %arg9[%swap3A_543] {strides = array<i32>} : memref<20000xf32, #tpu.memory_space<vmem>>, vector<16xf32>,
        tpu.vector_store %arg9[%swap3A_543], %broadcast_in_dim3A_432 {strides = array<i32>} : memref<20000xf32, #tpu.memory_space<vmem>>, vector<16xf32>,
        %mul3A_545 = arith.constant 128 : i32
        %mul3A_546 = arith.muli %scan3A_508, %mul3A_545 : i32
        %add3A_547 = arith.constant 96 : i32
        %add3A_548 = arith.addi %mul3A_546, %add3A_547 : i32
        %swap3A_549 = arith.index_cast %add3A_548 : i32 to index
        %swap3A_550 = tpu.vector_load %arg9[%swap3A_549] {strides = array<i32>} : memref<20000xf32, #tpu.memory_space<vmem>>, vector<16xf32>,
        tpu.vector_store %arg9[%swap3A_549], %broadcast_in_dim3A_432 {strides = array<i32>} : memref<20000xf32, #tpu.memory_space<vmem>>, vector<16xf32>,
        %mul3A_551 = arith.constant 128 : i32
        %mul3A_552 = arith.muli %scan3A_508, %mul3A_551 : i32
        %add3A_553 = arith.constant 112 : i32
        %add3A_554 = arith.addi %mul3A_552, %add3A_553 : i32
        %swap3A_555 = arith.index_cast %add3A_554 : i32 to index
        %swap3A_556 = tpu.vector_load %arg9[%swap3A_555] {strides = array<i32>} : memref<20000xf32, #tpu.memory_space<vmem>>, vector<16xf32>,
        tpu.vector_store %arg9[%swap3A_555], %broadcast_in_dim3A_432 {strides = array<i32>} : memref<20000xf32, #tpu.memory_space<vmem>>, vector<16xf32>,
      }
      %scan3A_438 = arith.constant 156 : i32
      %swap3A_439 = arith.constant 19968 : index
      %swap3A_440 = tpu.vector_load %arg9[%swap3A_439] {strides = array<i32>} : memref<20000xf32, #tpu.memory_space<vmem>>, vector<16xf32>,
      tpu.vector_store %arg9[%swap3A_439], %broadcast_in_dim3A_432 {strides = array<i32>} : memref<20000xf32, #tpu.memory_space<vmem>>, vector<16xf32>,
      %swap3A_441 = arith.constant 19984 : index
      %swap3A_442 = tpu.vector_load %arg9[%swap3A_441] {strides = array<i32>} : memref<20000xf32, #tpu.memory_space<vmem>>, vector<16xf32>,
      tpu.vector_store %arg9[%swap3A_441], %broadcast_in_dim3A_432 {strides = array<i32>} : memref<20000xf32, #tpu.memory_space<vmem>>, vector<16xf32>,
      %add3A_443 = arith.constant 0 : i32
      %add3A_444 = vector.broadcast %add3A_443 : i32 to vector<16xi32>
      %add3A_445 = arith.addi %iota3A, %add3A_444 : vector<16xi32>
      %lt3A_446 = vector.broadcast %while3A_430#0 : i32 to vector<16xi32>
      %lt3A_447 = arith.cmpi slt, %add3A_445, %lt3A_446 : vector<16xi32>
      %get3A_448 = arith.constant 0 : index
      %get3A_449 = tpu.vector_load %arg17[%get3A_448] {strides = array<i32>} : memref<112xi32, #tpu.memory_space<vmem>>, vector<16xi32>,
      %get3A_450 = arith.constant 0 : index
      %get3A_451 = tpu.vector_load %arg18[%get3A_450] {strides = array<i32>} : memref<112xf32, #tpu.memory_space<vmem>>, vector<16xf32>,
      tpu.vector_store_idx %arg9[%get3A_449], %get3A_451 masked %lt3A_447 : memref<20000xf32, #tpu.memory_space<vmem>>[vector<16xi32>], vector<16xf32>, vector<16xi1>
      %add3A_452 = arith.constant 16 : i32
      %add3A_453 = vector.broadcast %add3A_452 : i32 to vector<16xi32>
      %add3A_454 = arith.addi %iota3A, %add3A_453 : vector<16xi32>
      %lt3A_455 = vector.broadcast %while3A_430#0 : i32 to vector<16xi32>
      %lt3A_456 = arith.cmpi slt, %add3A_454, %lt3A_455 : vector<16xi32>
      %get3A_457 = arith.constant 16 : index
      %get3A_458 = tpu.vector_load %arg17[%get3A_457] {strides = array<i32>} : memref<112xi32, #tpu.memory_space<vmem>>, vector<16xi32>,
      %get3A_459 = arith.constant 16 : index
      %get3A_460 = tpu.vector_load %arg18[%get3A_459] {strides = array<i32>} : memref<112xf32, #tpu.memory_space<vmem>>, vector<16xf32>,
      tpu.vector_store_idx %arg9[%get3A_458], %get3A_460 masked %lt3A_456 : memref<20000xf32, #tpu.memory_space<vmem>>[vector<16xi32>], vector<16xf32>, vector<16xi1>
      %add3A_461 = arith.constant 32 : i32
      %add3A_462 = vector.broadcast %add3A_461 : i32 to vector<16xi32>
      %add3A_463 = arith.addi %iota3A, %add3A_462 : vector<16xi32>
      %lt3A_464 = vector.broadcast %while3A_430#0 : i32 to vector<16xi32>
      %lt3A_465 = arith.cmpi slt, %add3A_463, %lt3A_464 : vector<16xi32>
      %get3A_466 = arith.constant 32 : index
      %get3A_467 = tpu.vector_load %arg17[%get3A_466] {strides = array<i32>} : memref<112xi32, #tpu.memory_space<vmem>>, vector<16xi32>,
      %get3A_468 = arith.constant 32 : index
      %get3A_469 = tpu.vector_load %arg18[%get3A_468] {strides = array<i32>} : memref<112xf32, #tpu.memory_space<vmem>>, vector<16xf32>,
      tpu.vector_store_idx %arg9[%get3A_467], %get3A_469 masked %lt3A_465 : memref<20000xf32, #tpu.memory_space<vmem>>[vector<16xi32>], vector<16xf32>, vector<16xi1>
      %add3A_470 = arith.constant 48 : i32
      %add3A_471 = vector.broadcast %add3A_470 : i32 to vector<16xi32>
      %add3A_472 = arith.addi %iota3A, %add3A_471 : vector<16xi32>
      %lt3A_473 = vector.broadcast %while3A_430#0 : i32 to vector<16xi32>
      %lt3A_474 = arith.cmpi slt, %add3A_472, %lt3A_473 : vector<16xi32>
      %get3A_475 = arith.constant 48 : index
      %get3A_476 = tpu.vector_load %arg17[%get3A_475] {strides = array<i32>} : memref<112xi32, #tpu.memory_space<vmem>>, vector<16xi32>,
      %get3A_477 = arith.constant 48 : index
      %get3A_478 = tpu.vector_load %arg18[%get3A_477] {strides = array<i32>} : memref<112xf32, #tpu.memory_space<vmem>>, vector<16xf32>,
      tpu.vector_store_idx %arg9[%get3A_476], %get3A_478 masked %lt3A_474 : memref<20000xf32, #tpu.memory_space<vmem>>[vector<16xi32>], vector<16xf32>, vector<16xi1>
      %add3A_479 = arith.constant 64 : i32
      %add3A_480 = vector.broadcast %add3A_479 : i32 to vector<16xi32>
      %add3A_481 = arith.addi %iota3A, %add3A_480 : vector<16xi32>
      %lt3A_482 = vector.broadcast %while3A_430#0 : i32 to vector<16xi32>
      %lt3A_483 = arith.cmpi slt, %add3A_481, %lt3A_482 : vector<16xi32>
      %get3A_484 = arith.constant 64 : index
      %get3A_485 = tpu.vector_load %arg17[%get3A_484] {strides = array<i32>} : memref<112xi32, #tpu.memory_space<vmem>>, vector<16xi32>,
      %get3A_486 = arith.constant 64 : index
      %get3A_487 = tpu.vector_load %arg18[%get3A_486] {strides = array<i32>} : memref<112xf32, #tpu.memory_space<vmem>>, vector<16xf32>,
      tpu.vector_store_idx %arg9[%get3A_485], %get3A_487 masked %lt3A_483 : memref<20000xf32, #tpu.memory_space<vmem>>[vector<16xi32>], vector<16xf32>, vector<16xi1>
      %add3A_488 = arith.constant 80 : i32
      %add3A_489 = vector.broadcast %add3A_488 : i32 to vector<16xi32>
      %add3A_490 = arith.addi %iota3A, %add3A_489 : vector<16xi32>
      %lt3A_491 = vector.broadcast %while3A_430#0 : i32 to vector<16xi32>
      %lt3A_492 = arith.cmpi slt, %add3A_490, %lt3A_491 : vector<16xi32>
      %get3A_493 = arith.constant 80 : index
      %get3A_494 = tpu.vector_load %arg17[%get3A_493] {strides = array<i32>} : memref<112xi32, #tpu.memory_space<vmem>>, vector<16xi32>,
      %get3A_495 = arith.constant 80 : index
      %get3A_496 = tpu.vector_load %arg18[%get3A_495] {strides = array<i32>} : memref<112xf32, #tpu.memory_space<vmem>>, vector<16xf32>,
      tpu.vector_store_idx %arg9[%get3A_494], %get3A_496 masked %lt3A_492 : memref<20000xf32, #tpu.memory_space<vmem>>[vector<16xi32>], vector<16xf32>, vector<16xi1>
      %add3A_497 = arith.constant 96 : i32
      %add3A_498 = vector.broadcast %add3A_497 : i32 to vector<16xi32>
      %add3A_499 = arith.addi %iota3A, %add3A_498 : vector<16xi32>
      %lt3A_500 = vector.broadcast %while3A_430#0 : i32 to vector<16xi32>
      %lt3A_501 = arith.cmpi slt, %add3A_499, %lt3A_500 : vector<16xi32>
      %get3A_502 = arith.constant 96 : index
      %get3A_503 = tpu.vector_load %arg17[%get3A_502] {strides = array<i32>} : memref<112xi32, #tpu.memory_space<vmem>>, vector<16xi32>,
      %get3A_504 = arith.constant 96 : index
      %get3A_505 = tpu.vector_load %arg18[%get3A_504] {strides = array<i32>} : memref<112xf32, #tpu.memory_space<vmem>>, vector<16xf32>,
      tpu.vector_store_idx %arg9[%get3A_503], %get3A_505 masked %lt3A_501 : memref<20000xf32, #tpu.memory_space<vmem>>[vector<16xi32>], vector<16xf32>, vector<16xi1>
      %mul3A_506 = arith.constant 20000 : i32
      %mul3A_507 = arith.muli %add3A, %mul3A_506 : i32
      "tpu.region"() ({
        %run_scoped3A = tpu.sem_alloc : memref<!tpu.dma_semaphore, #tpu.memory_space<semaphore_mem>>
        %dma_start3A_508 = tpu.memref_slice %arg4[%mul3A_507] : memref<200000xf32, #tpu.memory_space<hbm>> -> memref<20000xf32, #tpu.memory_space<hbm>>
        %dma_start3A_509 = tpu.memref_slice %arg4[%mul3A_507] : memref<200000xf32, #tpu.memory_space<hbm>> -> memref<20000xf32, #tpu.memory_space<hbm>>
        tpu.enqueue_dma source(%arg9 : memref<20000xf32, #tpu.memory_space<vmem>>) target(%dma_start3A_509 : memref<20000xf32, #tpu.memory_space<hbm>>) target_semaphore(%run_scoped3A : memref<!tpu.dma_semaphore, #tpu.memory_space<semaphore_mem>>)
        %dma_wait3A_510 = tpu.memref_slice %arg4[%mul3A_507] : memref<200000xf32, #tpu.memory_space<hbm>> -> memref<20000xf32, #tpu.memory_space<hbm>>
        %dma_wait3A_511 = tpu.memref_slice %arg4[%mul3A_507] : memref<200000xf32, #tpu.memory_space<hbm>> -> memref<20000xf32, #tpu.memory_space<hbm>>
        tpu.wait_dma2 semaphore(%run_scoped3A : memref<!tpu.dma_semaphore, #tpu.memory_space<semaphore_mem>>) src(%arg9 : memref<20000xf32, #tpu.memory_space<vmem>>) dst(%dma_wait3A_511 : memref<20000xf32, #tpu.memory_space<hbm>>)
        tpu.yield
      }) : () -> ()
    } else {
    }
    return
  }
}

</mosaic_0001>

<sc_bundles>
// kernel: _nms_sc.3.cloned.1.call-start
scs
__scs_entry_jumppad:
0x0: {  	(pc) =	sbr.rel $0x88, $3  }
0x1: {  	(tag) =	ssettag $0x0;
	lr =	simm.s32 $0x1  }
0x2: {  	[smem:$0x3F9F] =	sst lr;
	_ =	strace $0xD0000000  }
0x3: {  	_ = 	snop  }
0x4: {  	_ = 	snop  }
0x5: {  	_ = 	snop  }
0x6: {  	_ = 	snop  }
0x7: {  	_ = 	snop  }
__scs_overlays_trampoline_lowered:
0x8: {  	[smem:$0x3FAE] =	sst s0  }
0x9: {  	[smem:$0x3FAF] =	sst s1  }
0xa: {  	[smem:$0x3FB0] =	sst s2  }
0xb: {  	[smem:$0x3FB1] =	sst s3  }
0xc: {  	[smem:$0x3FB2] =	sst s4  }
0xd: {  	[smem:$0x3FB3] =	sst s5  }
0xe: {  	[smem:$0x3FB4] =	sst s6  }
0xf: {  	[smem:$0x3FB5] =	sst s7  }
0x10: {  	[smem:$0x3FB6] =	sst s8  }
0x11: {  	[smem:$0x3FB7] =	sst s9;
	s0 =	simm.s32 @!p0 $0x0  }
0x12: {  	s1 =	sld [smem:$0x3F9D];
	s0 =	simm.s32 @p0 $0x1  }
0x13: {  	[smem:$0x3FB8] =	sst s0;
	s0 =	simm.s32 @!p1 $0x0  }
0x14: {  	s2 =	sld [smem:$0x3F9C];
	s0 =	simm.s32 @p1 $0x1  }
0x15: {  	[smem:$0x3FB9] =	sst s0;
	s0 =	simm.s32 @!p2 $0x0  }
0x16: {  	s3 =	sld [smem:$0x3FDB];
	s0 =	simm.s32 @p2 $0x1  }
0x17: {  	s4 =	simm.s32 $0x1BF5;
	[smem:$0x3FBB] =	sst s0  }
0x18: {  	s0 =	sld [smem:$0x3F9E];
	_ =	swait.ge [sflag:s4], $0x0  }
0x19: {  	s7 =	sld [smem:$0x3F9F]  }
0x1a: {  	s8 =	sadd.s32 $0xFFFFE003, lr  }
0x1b: {  	s9 =	sadd.s32 $0xFFFFFEF7, lr;
	s5 =	simm.s32 $0xFFFFFFFF;
	p2 =	slt.u32 s8, $0xFFFFF086  }
0x1c: {  	p1 =	slt.u32 s9, $0xF7A;
	s5 =	simm.s32 @!p2 $0x0  }
0x1d: {  	s5 =	simm.s32 @p1 $0x1;
	p0 =	seq.s32 s7, s2  }
0x1e: {  	s7 =	smul.u32 @!p0 $0xF7A, s2;
	p2 =	seq.s32 @!p0 s5, $0x0  }
0x1f: {  	s9 =	smul.u32 $0xF7A, s1;
	s8 =	simm.s32 @!p0 $0x1BF5;
	p2 =	por !p2, p0  }
0x20: {  	[sflag:s8] =	ssyncset.s32 @!p0 $0xFFFFF086;
	s6 =	sadd.s32 @!p0 s3, s7;
	s7 =	simm.s32 @!p0 $0x108  }
0x21: {  	s3 =	sadd.s32 s3, s9;
	s6 =	sadd.s32 @!p0 $0x88, s6;
	s7 =	simm.s32 @p2 $0x1082  }
0x22: {  	[simem:s7], [sflag:s8] =	dma.local @!p0 [hbm:s6], $0xF7A  }
0x23: {  	s9 =	sor.u32 $0xD0000000, s2;
	s6 =	simm.s32 $0x108;
	_ =	swait.ge @!p0 [sflag:s8], $0x0  }
0x24: {  	s3 =	sadd.s32 $0x88, s3;
	s6 =	simm.s32 @!p1 $0x1082;
	[sflag:s4] =	ssyncset.s32 $0xFFFFF086  }
0x25: {  	[simem:s6], [sflag:s4] =	dma.local [hbm:s3], $0xF7A  }
0x26: {  	[smem:$0x3F9F] =	sst s1;
	(tag) =	ssettag s2;
	_ =	strace s9  }
0x27: {  	s1 =	sld [smem:$0x3FAF]  }
0x28: {  	s2 =	sld [smem:$0x3FB0]  }
0x29: {  	s4 =	sld [smem:$0x3FB2]  }
0x2a: {  	p0 =	seq.s32 s5, $0x0;
	s5 =	sld [smem:$0x3FB3]  }
0x2b: {  	s6 =	sld [smem:$0x3FB4]  }
0x2c: {  	s7 =	sld [smem:$0x3FB5]  }
0x2d: {  	s3 =	simm.s32 $0x108;
	s8 =	sld [smem:$0x3FB6]  }
0x2e: {  	s3 =	simm.s32 @!p0 $0x1082;
	s9 =	sld [smem:$0x3FB7]  }
0x2f: {  	lr =	sadd.s32 s0, s3;
	s0 =	sld [smem:$0x3FAE]  }
0x30: {  	s3 =	sld [smem:$0x3FB1]  }
0x31: {  	[smem:$0x3FBA] =	sst s10  }
0x32: {  	s10 =	sld [smem:$0x3FB8];
	_ =	sdelay $0x3  }
0x33: {  	p0 =	seq.s32 s10, $0x1;
	s10 =	sld [smem:$0x3FBA];
	_ =	sdelay $0x3  }
0x34: {  	[smem:$0x3FBA] =	sst s10  }
0x35: {  	s10 =	sld [smem:$0x3FB9];
	_ =	sdelay $0x3  }
0x36: {  	p1 =	seq.s32 s10, $0x1;
	s10 =	sld [smem:$0x3FBA];
	_ =	sdelay $0x3  }
0x37: {  	[smem:$0x3FBA] =	sst s10  }
0x38: {  	s10 =	sld [smem:$0x3FBB]  }
0x39: {  	_ = 	snop;
	(pc) =	sbr.ind lr, $3  }
0x3a: {  	_ = 	snop  }
0x3b: {  	_ = 	snop  }
0x3c: {  	p2 =	seq.s32 s10, $0x1;
	s10 =	sld [smem:$0x3FBA]  }
0x3d: {  	_ =	shalt  }
0x3e: {  	_ =	shalt  }
0x3f: {  	_ =	shalt  }
0x40: {  	_ =	shalt  }
0x41: {  	_ =	shalt  }
0x42: {  	_ =	shalt  }
0x43: {  	_ =	shalt  }
0x44: {  	_ =	shalt  }
0x45: {  	_ =	shalt  }
0x46: {  	_ =	shalt  }
0x47: {  	_ =	shalt  }
0x48: {  	_ =	shalt  }
0x49: {  	_ =	shalt  }
0x4a: {  	_ =	shalt  }
0x4b: {  	_ =	shalt  }
0x4c: {  	_ =	shalt  }
0x4d: {  	_ =	shalt  }
0x4e: {  	_ =	shalt  }
0x4f: {  	_ =	shalt  }
0x50: {  	_ =	shalt  }
0x51: {  	_ =	shalt  }
0x52: {  	_ =	shalt  }
0x53: {  	_ =	shalt  }
0x54: {  	_ =	shalt  }
0x55: {  	_ =	shalt  }
0x56: {  	_ =	shalt  }
0x57: {  	_ =	shalt  }
0x58: {  	_ =	shalt  }
0x59: {  	_ =	shalt  }
0x5a: {  	_ =	shalt  }
0x5b: {  	_ =	shalt  }
0x5c: {  	_ =	shalt  }
0x5d: {  	_ =	shalt  }
0x5e: {  	_ =	shalt  }
0x5f: {  	_ =	shalt  }
0x60: {  	_ =	shalt  }
0x61: {  	_ =	shalt  }
0x62: {  	_ =	shalt  }
0x63: {  	_ =	shalt  }
0x64: {  	_ =	shalt  }
0x65: {  	_ =	shalt  }
0x66: {  	_ =	shalt  }
0x67: {  	_ =	shalt  }
0x68: {  	_ =	shalt  }
0x69: {  	_ =	shalt  }
0x6a: {  	_ =	shalt  }
0x6b: {  	_ =	shalt  }
0x6c: {  	_ =	shalt  }
0x6d: {  	_ =	shalt  }
0x6e: {  	_ =	shalt  }
0x6f: {  	_ =	shalt  }
0x70: {  	_ =	shalt  }
0x71: {  	_ =	shalt  }
0x72: {  	_ =	shalt  }
0x73: {  	_ =	shalt  }
0x74: {  	_ =	shalt  }
0x75: {  	_ =	shalt  }
0x76: {  	_ =	shalt  }
0x77: {  	_ =	shalt  }
0x78: {  	_ =	shalt  }
0x79: {  	_ =	shalt  }
0x7a: {  	_ =	shalt  }
0x7b: {  	_ =	shalt  }
0x7c: {  	_ =	shalt  }
0x7d: {  	_ =	shalt  }
0x7e: {  	_ =	shalt  }
0x7f: {  	_ =	shalt  }
0x80: {  	_ =	shalt  }
0x81: {  	_ =	shalt  }
0x82: {  	_ =	shalt  }
0x83: {  	_ =	shalt  }
0x84: {  	_ =	shalt  }
0x85: {  	_ =	shalt  }
0x86: {  	_ =	shalt  }
0x87: {  	_ =	shalt  }
.Lfunc_end0:
.L_simem_size_0:
called_computation_lowered:
.L_overlay_start_0:
0x88: {  	s0 =	sld [smem:$0x3FD9]  }
0x89: {  	s1 =	sld [smem:$0x3FFE];
	_ =	sdelay $0x3  }
0x8a: {  	s0 =	sadd.s32 s1, s0  }
0x8b: {  	[smem:$0x3FC6] =	sst s0  }
0x8c: {  	_ = 	snop  }
0x8d: {  	s0 =	sld [smem:$0x3FC9]  }
0x8e: {  	s17 =	sld [smem:$0x3FC8]  }
0x8f: {  	s2 =	sld [smem:$0x3FD0];
	(tm) =	ssettm $0x1  }
0x90: {  	s3 =	sld [smem:$0x3FFB];
	_ =	sdelay $0x3  }
0x91: {  	_ =	strace s3  }
0x92: {  	s3 =	sld [smem:$0x3FFC];
	_ =	sdelay $0x3  }
0x93: {  	_ =	strace s3  }
0x94: {  	s3 =	sld [smem:$0x3FFD];
	_ =	sdelay $0x3  }
0x95: {  	_ =	strace s3  }
0x96: {  	_ =	strace $0x8FFFFFFF  }
0x97: {  	s18 =	sld [smem:$0x3FDB];
	_ =	sdelay $0x1  }
0x98: {  	s4 =	simm.s32 $_scs_section_size  }
0x99: {  	s5 =	simm.s32 $_size__tile_overlayer_lowered;
	s6 =	simm.s32 $_tile_overlayer_lowered  }
0x9a: {  	s21 =	simm.s32 $0x1BFF;
	s20 =	sshll.u32 s6, $0x1;
	s3 =	sadd.s32 s4, s18  }
0x9b: {  	s7 =	simm.s32 $0x0;
	s19 =	sshll.u32 s5, $0x1;
	s5 =	sadd.s32 s20, s3  }
0x9c: {  	[timem:s7], [sflag:s21] =	dma.local [hbm:s5], s19  }
0x9d: {  	_ =	swait.ge [sflag:s21], s19  }
0x9e: {  	s4 =	ssub.s32 $0x0, s19;
	[sflag:s21] =	ssyncset.done $0x0  }
0x9f: {  	[sflag:s21] =	ssyncadd.s32 s4;
	_ =	sdelay $0x1  }
0xa0: {  	s22 =	simm.s32 $0x1B8B  }
0xa1: {  	_ =	swait.ge [sflag:s22], $0x1  }
0xa2: {  	[sflag:s22] =	ssyncset.done $0x0  }
0xa3: {  	s23 =	simm.s32 $0x1B8E;
	[sflag:s22] =	ssyncadd.s32 $0xFFFFFFFF  }
0xa4: {  	s24 =	simm.s32 $execute0_lowered;
	[smem:$0x3FD2] =	sst s23  }
0xa5: {  	s4 =	sshll.u32 s24, $0x1;
	_ =	strace $0x80000046;
	[dreg:$0x1] =	wrdreg $0xFFFFFFFF  }
0xa6: {  	s25 =	simm.s32 $_size_execute0_lowered;
	s3 =	sadd.s32 s3, s4;
	[dreg:$0x0] =	wrdreg $0x0  }
0xa7: {  	s4 =	sshll.u32 s25, $0x1;
	[dreg:$0x2] =	wrdreg s3  }
0xa8: {  	[dreg:$0x3] =	wrdreg s4  }
0xa9: {  	[dreg:$0x4] =	wrdreg $0xC0  }
0xaa: {  	_ =	task [dreg:s7], $0x5FFFF  }
0xab: {  	[dreg:$0x1] =	wrdreg $0xFFFFFFFF  }
0xac: {  	[dreg:$0x0] =	wrdreg $0x60  }
0xad: {  	[dreg:$0x2] =	wrdreg s0  }
0xae: {  	[dreg:$0x3] =	wrdreg s17  }
0xaf: {  	[dreg:$0x4] =	wrdreg s2  }
0xb0: {  	[dreg:$0x5] =	wrdreg $0x9  }
0xb1: {  	_ =	task.clear_ibuf [dreg:s7], $0x6FFFF;
	_ =	strace $0x90000046  }
0xb2: {  	s26 =	simm.s32 $0x9;
	_ =	strace $0x80000048  }
0xb3: {  	_ =	swait.ge [sflag:s26], $0x1  }
0xb4: {  	[sflag:s26] =	ssyncadd.s32 $0xFFFFFFFF  }
0xb5: {  	_ =	strace $0x90000048  }
0xb6: {  	_ =	sfence  }
0xb7: {  	s28 =	sld [smem:$0x0];
	_ =	sdelay $0x1  }
0xb8: {  	s29 =	srdreg.scid  }
0xb9: {  	s30 =	sshll.u32 s29, $0xD;
	s31 =	sshrl.u32 s29, $0x2  }
0xba: {  	s1 =	sand.u32 $0x1, s29;
	s2 =	sand.u32 $0x4000, s30;
	s0 =	sadd.s32 s31, s28  }
0xbb: {  	s1 =	sor.u32 s2, s1;
	s0 =	sshll.u32 s0, $0x11  }
0xbc: {  	s0 =	sor.u32 s0, s1  }
0xbd: {  	s0 =	sadd.s32 $0x8F2B, s0  }
0xbe: {  	[sflag:s0] =	ssyncadd.remote.s32 $0x1  }
0xbf: {  	_ =	sfence.sel $0xFFFF  }
0xc0: {  	[dreg:$0x0] =	wrdreg $0xFFFFFFFF;
	(pc) =	sbr.abs _section_cstart, $3  }
0xc1: {  	[dreg:$0x1] =	wrdreg $0xFFFFFFFF  }
0xc2: {  	_ =	task.clear_ibuf [dreg:s7], $0x2FFFF;
	_ =	strace $0x9FFFFFFF  }
0xc3: {  	(tm) =	ssettm $0x7FFFFFFF  }
tec
execute0_lowered:
.L_overlay_start_1:
0x0: {  	(tag) =	ssettag $0x1  }
0x1: {  	s1 =	stileid.u32  }
0x2: {  	p0 =	sgt.u32 s1, $0x9  }
.Ltmp0:
0x3: {  	s6 =	rddreg [dreg:$0x0];
	(pc) =	sbr.rel @p0 .LBB2_26-.Ltmp0, $4  }
0x4: {  	s3 =	rddreg [dreg:$0x1]  }
0x5: {  	s2 =	rddreg [dreg:$0x2];
	s4 =	simm.s32 $0x0  }
0x6: {  	[smem:$0x7FF] =	sst s4  }
0x7: {  	s0 =	rddreg [dreg:$0x3];
	_ =	strace $0x80000047  }
0x8: {  	s5 =	smul.u32 $0x9C4, s1;
	_ =	sdelay $0x1  }
0x9: {  	s7 =	sadd.s32 s3, s5;
	s3 =	simm.s32 $0x13A00  }
0xa: {  	[tilespmem:s3], [sflag:$0x1] =	stream.linear.gather [hbm4b:s7+s4], $0x4E20, $0x38;
	[tilespmem:$0x19180] =	vst v63  }
0xb: {  	_ = 	snop  }
0xc: {  	[tilespmem:s4], [sflag:$0x2] =	stream.linear.gather [hbm4b:s6+s4], $0x4E20, $0x38;
	[tilespmem:$0x19180] =	vst v63  }
0xd: {  	s24 =	sadd.s32 $0x9C4, s6;
	s8 =	simm.s32 $0x4E80  }
0xe: {  	[tilespmem:s8], [sflag:$0x2] =	stream.linear.gather [hbm4b:s24+s4], $0x4E20, $0x38;
	[tilespmem:$0x19180] =	vst v63  }
0xf: {  	s25 =	sadd.s32 $0x1388, s6;
	s26 =	simm.s32 $0x9D00  }
0x10: {  	[tilespmem:s26], [sflag:$0x2] =	stream.linear.gather [hbm4b:s25+s4], $0x4E20, $0x38;
	[tilespmem:$0x19180] =	vst v63  }
0x11: {  	s28 =	sadd.s32 $0x1D4C, s6;
	s29 =	simm.s32 $0xEB80;
	s30 =	simm.s32 $0x1  }
0x12: {  	[tilespmem:s29], [sflag:$0x2] =	stream.linear.gather [hbm4b:s28+s4], $0x4E20, $0x38;
	[tilespmem:$0x19180] =	vst v63  }
0x13: {  	v0 =	vlaneseq.u32;
	_ =	swait.ge [sflag:s30], $0x4E20  }
0x14: {  	v1 =	vand.u32 $0x7, v0;
	[sflag:s30] =	ssyncset.done $0x0  }
0x15: {  	v6 =	vimm.s32 $0x0;
	v0 =	vmul.u32 $0x10, v0;
	v1 =	vmul.u32 $0x10, v1;
	[sflag:s30] =	ssyncadd.s32 $0xFFFFB1E0  }
0x16: {  	[tilespmem:$0x19080] =	vst v6  }
0x17: {  	v3 =	vor.u32 s4, v0;
	v1 =	vor.u32 $0xFFFFFF80, v1;
	[tilespmem:$0x19090] =	vst v6  }
0x18: {  	v2 =	vor.u32 $0x1, v0;
	v8 =	vand.u32 v1, v3;
	[tilespmem:$0x190A0] =	vst v6  }
0x19: {  	v9 =	vor.u32 s4, v2;
	v3 =	vor.u32 $0x2, v0;
	[tilespmem:$0x190B0] =	vst v6  }
0x1a: {  	v4 =	vor.u32 $0x3, v0;
	v10 =	vor.u32 s4, v3;
	[tilespmem:$0x190C0] =	vst v6  }
0x1b: {  	v5 =	vor.u32 $0x4, v0;
	v11 =	vor.u32 s4, v4;
	[tilespmem:$0x190D0] =	vst v6  }
0x1c: {  	v7 =	vor.u32 $0x6, v0;
	v13 =	vor.u32 s4, v5;
	[tilespmem:$0x190E0] =	vst v6  }
0x1d: {  	v12 =	vor.u32 $0xB, v0;
	v19 =	vor.u32 s4, v7;
	v17 =	vld.idx.msk [tilespmem:v8+s3+$0x0], $0xffff  }
0x1e: {  	v28 =	vor.u32 s4, v12;
	v6 =	vor.u32 $0x5, v0;
	v18 =	vld.idx.msk [tilespmem:v9+s3+$0x0], $0xffff  }
0x1f: {  	v15 =	vor.u32 s4, v6;
	v8 =	vor.u32 $0x7, v0;
	v20 =	vld.idx.msk [tilespmem:v10+s3+$0x0], $0xffff  }
0x20: {  	v9 =	vor.u32 $0x8, v0;
	v22 =	vld.idx.msk [tilespmem:v11+s3+$0x0], $0xffff;
	v21 =	vor.u32 s4, v8  }
0x21: {  	v14 =	vor.u32 $0xD, v0;
	v10 =	vor.u32 $0x9, v0;
	v24 =	vld.idx.msk [tilespmem:v13+s3+$0x0], $0xffff;
	v23 =	vor.u32 s4, v9  }
0x22: {  	s31 =	simm.s32 $0x100;
	v16 =	vor.u32 $0xF, v0;
	v11 =	vor.u32 $0xA, v0;
	v19 =	vld.idx.msk [tilespmem:v19+s3+$0x0], $0xffff;
	v25 =	vor.u32 s4, v10  }
0x23: {  	v33 =	vor.u32 s31, v0;
	v13 =	vor.u32 $0xC, v0;
	v28 =	vld.idx.msk [tilespmem:v28+s3+$0x0], $0xffff;
	v27 =	vor.u32 s4, v11  }
0x24: {  	v30 =	vor.u32 s4, v14;
	v32 =	vor.u32 s4, v16;
	v29 =	vor.u32 s4, v13;
	v26 =	vld.idx.msk [tilespmem:v15+s3+$0x0], $0xffff  }
0x25: {  	v15 =	vor.u32 $0xE, v0;
	vm0 =	vgt.f32 v17, $5.000000070e-02;
	vm14 =	vgt.f32 v18, $5.000000070e-02;
	v21 =	vld.idx.msk [tilespmem:v21+s3+$0x0], $0xffff  }
0x26: {  	vm1 =	vgt.f32 v20, $5.000000070e-02;
	vm2 =	vgt.f32 v22, $5.000000070e-02;
	v23 =	vld.idx.msk [tilespmem:v23+s3+$0x0], $0xffff;
	v31 =	vor.u32 s4, v15  }
0x27: {  	vm15 =	vgt.f32 v24, $5.000000070e-02;
	vm5 =	vgt.f32 v19, $5.000000070e-02;
	v17 =	vnsel vm0, $0xBF800000, v17;
	v25 =	vld.idx.msk [tilespmem:v25+s3+$0x0], $0xffff  }
0x28: {  	v27 =	vld.idx.msk [tilespmem:v27+s3+$0x0], $0xffff;
	v18 =	vnsel vm14, $0xBF800000, v18;
	v20 =	vnsel vm1, $0xBF800000, v20;
	v22 =	vnsel vm2, $0xBF800000, v22  }
0x29: {  	vm10 =	vgt.f32 v28, $5.000000070e-02;
	v17 =	vmax.f32 v17, v18;
	v18 =	vmax.f32 v20, v22;
	v20 =	vld.idx.msk [tilespmem:v29+s3+$0x0], $0xffff  }
0x2a: {  	v24 =	vnsel vm15, $0xBF800000, v24;
	v19 =	vnsel vm5, $0xBF800000, v19;
	v17 =	vmax.f32 v17, v18;
	v18 =	vld.idx.msk [tilespmem:v30+s3+$0x0], $0xffff  }
0x2b: {  	v22 =	vand.u32 v1, v33;
	v29 =	vor.u32 s31, v2;
	vm4 =	vgt.f32 v26, $5.000000070e-02;
	v30 =	vld.idx.msk [tilespmem:v31+s3+$0x0], $0xffff  }
0x2c: {  	v26 =	vnsel vm4, $0xBF800000, v26;
	v31 =	vld.idx.msk [tilespmem:v32+s3+$0x0], $0xffff;
	vm6 =	vgt.f32 v21, $5.000000070e-02;
	vm7 =	vgt.f32 v23, $5.000000070e-02  }
0x2d: {  	vm8 =	vgt.f32 v25, $5.000000070e-02;
	vm9 =	vgt.f32 v27, $5.000000070e-02;
	v21 =	vnsel vm6, $0xBF800000, v21  }
0x2e: {  	v23 =	vnsel vm7, $0xBF800000, v23;
	v25 =	vnsel vm8, $0xBF800000, v25;
	v24 =	vmax.f32 v24, v26  }
0x2f: {  	vm11 =	vgt.f32 v20, $5.000000070e-02;
	v19 =	vmax.f32 v19, v21;
	v21 =	vmax.f32 v23, v25  }
0x30: {  	v23 =	vnsel vm9, $0xBF800000, v27;
	v25 =	vnsel vm10, $0xBF800000, v28;
	v20 =	vnsel vm11, $0xBF800000, v20  }
0x31: {  	vm12 =	vgt.f32 v18, $5.000000070e-02;
	vm13 =	vgt.f32 v30, $5.000000070e-02;
	vm14 =	vgt.f32 v31, $5.000000070e-02  }
0x32: {  	v18 =	vnsel vm12, $0xBF800000, v18;
	v26 =	vnsel vm13, $0xBF800000, v30;
	v27 =	vnsel vm14, $0xBF800000, v31  }
0x33: {  	v23 =	vmax.f32 v23, v25;
	v18 =	vmax.f32 v20, v18;
	v20 =	vmax.f32 v26, v27  }
0x34: {  	v19 =	vmax.f32 v24, v19;
	v21 =	vmax.f32 v21, v23;
	v18 =	vmax.f32 v18, v20  }
0x35: {  	v17 =	vmax.f32 v17, v19;
	v20 =	vor.u32 s31, v3;
	v18 =	vmax.f32 v21, v18  }
0x36: {  	s4 =	simm.s32 $0x18880;
	v19 =	vor.u32 s31, v4;
	v17 =	vmax.f32 v17, v18  }
0x37: {  	v21 =	vor.u32 s31, v7;
	[tilespmem:s4+$0x0] =	vst v17  }
0x38: {  	v18 =	vor.u32 s31, v5;
	v22 =	vld.idx.msk [tilespmem:v22+s3+$0x0], $0xffff  }
0x39: {  	v17 =	vor.u32 s31, v6;
	v23 =	vld.idx.msk [tilespmem:v29+s3+$0x0], $0xffff  }
0x3a: {  	v24 =	vld.idx.msk [tilespmem:v20+s3+$0x0], $0xffff;
	v20 =	vor.u32 s31, v8  }
0x3b: {  	v26 =	vor.u32 s31, v9;
	v25 =	vld.idx.msk [tilespmem:v19+s3+$0x0], $0xffff  }
0x3c: {  	v27 =	vor.u32 s31, v10;
	v21 =	vld.idx.msk [tilespmem:v21+s3+$0x0], $0xffff  }
0x3d: {  	v31 =	vor.u32 s31, v11;
	v18 =	vld.idx.msk [tilespmem:v18+s3+$0x0], $0xffff  }
0x3e: {  	v30 =	vor.u32 s31, v12;
	v19 =	vld.idx.msk [tilespmem:v17+s3+$0x0], $0xffff  }
0x3f: {  	v29 =	vor.u32 s31, v13;
	v17 =	vld.idx.msk [tilespmem:v20+s3+$0x0], $0xffff  }
0x40: {  	v28 =	vor.u32 s31, v14;
	vm15 =	vgt.f32 v22, $5.000000070e-02;
	v20 =	vld.idx.msk [tilespmem:v26+s3+$0x0], $0xffff  }
0x41: {  	s2 =	sadd.s32 s2, s5;
	s5 =	simm.s32 $0x200;
	v32 =	vnsel vm15, $0xBF800000, v22;
	v22 =	vld.idx.msk [tilespmem:v27+s3+$0x0], $0xffff;
	v27 =	vor.u32 s31, v15;
	v26 =	vor.u32 s31, v16  }
.LBB2_2:
0x42: {  	p0 =	sne.s32 s5, $0x4D00;
	vm0 =	vgt.f32 v23, $5.000000070e-02;
	vm1 =	vgt.f32 v24, $5.000000070e-02;
	vm2 =	vgt.f32 v25, $5.000000070e-02;
	v31 =	vld.idx.msk [tilespmem:v31+s3+$0x0], $0xffff  }
0x43: {  	v23 =	vnsel vm0, $0xBF800000, v23;
	v24 =	vnsel vm1, $0xBF800000, v24;
	v25 =	vnsel vm2, $0xBF800000, v25;
	v30 =	vld.idx.msk [tilespmem:v30+s3+$0x0], $0xffff  }
0x44: {  	v33 =	vor.u32 s5, v0;
	v29 =	vld.idx.msk [tilespmem:v29+s3+$0x0], $0xffff;
	v23 =	vmax.f32 v32, v23;
	v24 =	vmax.f32 v24, v25  }
0x45: {  	v25 =	vand.u32 v1, v33;
	v32 =	vor.u32 s5, v2;
	v28 =	vld.idx.msk [tilespmem:v28+s3+$0x0], $0xffff;
	v23 =	vmax.f32 v23, v24  }
0x46: {  	vm0 =	vgt.f32 v18, $5.000000070e-02;
	vm1 =	vgt.f32 v19, $5.000000070e-02;
	vm2 =	vgt.f32 v21, $5.000000070e-02;
	v24 =	vld.idx.msk [tilespmem:v27+s3+$0x0], $0xffff  }
0x47: {  	v18 =	vnsel vm0, $0xBF800000, v18;
	v19 =	vnsel vm1, $0xBF800000, v19;
	v21 =	vnsel vm2, $0xBF800000, v21;
	v26 =	vld.idx.msk [tilespmem:v26+s3+$0x0], $0xffff  }
0x48: {  	vm0 =	vgt.f32 v17, $5.000000070e-02;
	vm1 =	vgt.f32 v20, $5.000000070e-02;
	vm2 =	vgt.f32 v22, $5.000000070e-02  }
0x49: {  	v17 =	vnsel vm0, $0xBF800000, v17;
	v20 =	vnsel vm1, $0xBF800000, v20;
	v22 =	vnsel vm2, $0xBF800000, v22  }
0x4a: {  	v18 =	vmax.f32 v18, v19;
	v17 =	vmax.f32 v21, v17;
	v19 =	vmax.f32 v20, v22  }
0x4b: {  	vm0 =	vgt.f32 v31, $5.000000070e-02;
	vm1 =	vgt.f32 v30, $5.000000070e-02;
	vm2 =	vgt.f32 v29, $5.000000070e-02  }
0x4c: {  	v20 =	vnsel vm0, $0xBF800000, v31;
	v21 =	vnsel vm1, $0xBF800000, v30;
	v22 =	vnsel vm2, $0xBF800000, v29  }
0x4d: {  	vm0 =	vgt.f32 v28, $5.000000070e-02;
	vm1 =	vgt.f32 v24, $5.000000070e-02;
	vm2 =	vgt.f32 v26, $5.000000070e-02  }
0x4e: {  	v27 =	vnsel vm0, $0xBF800000, v28;
	v24 =	vnsel vm1, $0xBF800000, v24;
	v26 =	vnsel vm2, $0xBF800000, v26  }
0x4f: {  	v20 =	vmax.f32 v20, v21;
	v21 =	vmax.f32 v22, v27;
	v22 =	vmax.f32 v24, v26  }
0x50: {  	v17 =	vmax.f32 v18, v17;
	v18 =	vmax.f32 v19, v20;
	v19 =	vmax.f32 v21, v22  }
0x51: {  	v17 =	vmax.f32 v23, v17;
	v20 =	vor.u32 s5, v3;
	v18 =	vmax.f32 v18, v19  }
0x52: {  	s4 =	sadd.s32 $0x10, s4;
	v19 =	vor.u32 s5, v4;
	v17 =	vmax.f32 v17, v18  }
0x53: {  	v18 =	vor.u32 s5, v5;
	[tilespmem:s4+$0x0] =	vst v17  }
0x54: {  	v17 =	vor.u32 s5, v6;
	v22 =	vld.idx.msk [tilespmem:v25+s3+$0x0], $0xffff  }
0x55: {  	v21 =	vor.u32 s5, v7;
	v23 =	vld.idx.msk [tilespmem:v32+s3+$0x0], $0xffff  }
0x56: {  	v24 =	vld.idx.msk [tilespmem:v20+s3+$0x0], $0xffff;
	v20 =	vor.u32 s5, v8  }
0x57: {  	v26 =	vor.u32 s5, v9;
	v25 =	vld.idx.msk [tilespmem:v19+s3+$0x0], $0xffff  }
0x58: {  	v27 =	vor.u32 s5, v10;
	v18 =	vld.idx.msk [tilespmem:v18+s3+$0x0], $0xffff  }
.Ltmp1:
0x59: {  	v31 =	vor.u32 s5, v11;
	v19 =	vld.idx.msk [tilespmem:v17+s3+$0x0], $0xffff;
	(pc) =	sbr.rel @p0 .LBB2_2-.Ltmp1, $4  }
0x5a: {  	v30 =	vor.u32 s5, v12;
	v21 =	vld.idx.msk [tilespmem:v21+s3+$0x0], $0xffff  }
0x5b: {  	v29 =	vor.u32 s5, v13;
	v17 =	vld.idx.msk [tilespmem:v20+s3+$0x0], $0xffff  }
0x5c: {  	v28 =	vor.u32 s5, v14;
	vm0 =	vgt.f32 v22, $5.000000070e-02;
	v20 =	vld.idx.msk [tilespmem:v26+s3+$0x0], $0xffff  }
0x5d: {  	v32 =	vnsel vm0, $0xBF800000, v22;
	v26 =	vor.u32 s5, v16;
	v22 =	vld.idx.msk [tilespmem:v27+s3+$0x0], $0xffff;
	v27 =	vor.u32 s5, v15;
	s5 =	sadd.s32 $0x100, s5  }
0x5e: {  	_ =	sdelay $0x1  }
0x5f: {  	vm0 =	vgt.f32 v23, $5.000000070e-02;
	vm1 =	vgt.f32 v24, $5.000000070e-02  }
0x60: {  	vm2 =	vgt.f32 v25, $5.000000070e-02;
	v1 =	vnsel vm0, $0xBF800000, v23;
	v2 =	vnsel vm1, $0xBF800000, v24  }
0x61: {  	v0 =	vld.idx.msk [tilespmem:v31+s3+$0x0], $0xffff;
	v3 =	vnsel vm2, $0xBF800000, v25;
	vm0 =	vgt.f32 v18, $5.000000070e-02;
	vm1 =	vgt.f32 v19, $5.000000070e-02  }
0x62: {  	v4 =	vld.idx.msk [tilespmem:v30+s3+$0x0], $0xffff;
	vm2 =	vgt.f32 v21, $5.000000070e-02;
	v1 =	vmax.f32 v32, v1;
	v2 =	vmax.f32 v2, v3  }
0x63: {  	v7 =	vld.idx.msk [tilespmem:v27+s3+$0x0], $0xffff;
	v5 =	vnsel vm0, $0xBF800000, v18;
	v6 =	vnsel vm1, $0xBF800000, v19;
	v8 =	vnsel vm2, $0xBF800000, v21  }
0x64: {  	v3 =	vld.idx.msk [tilespmem:v29+s3+$0x0], $0xffff;
	vm0 =	vgt.f32 v17, $5.000000070e-02;
	v1 =	vmax.f32 v1, v2;
	vm1 =	vgt.f32 v20, $5.000000070e-02  }
0x65: {  	v9 =	vld.idx.msk [tilespmem:v26+s3+$0x0], $0xffff;
	v10 =	vnsel vm0, $0xBF800000, v17;
	v5 =	vmax.f32 v5, v6;
	vm2 =	vgt.f32 v22, $5.000000070e-02  }
0x66: {  	v2 =	vld.idx.msk [tilespmem:v28+s3+$0x0], $0xffff;
	v11 =	vnsel vm1, $0xBF800000, v20;
	v6 =	vmax.f32 v8, v10;
	v10 =	vimm.s32 $0x4E1F  }
0x67: {  	v12 =	vnsel vm2, $0xBF800000, v22;
	vm0 =	vgt.f32 v0, $5.000000070e-02;
	vm1 =	vgt.f32 v4, $5.000000070e-02  }
0x68: {  	v5 =	vmax.f32 v5, v6;
	v8 =	vmax.f32 v11, v12;
	v0 =	vnsel vm0, $0xBF800000, v0  }
0x69: {  	v4 =	vnsel vm1, $0xBF800000, v4;
	vm1 =	vgt.f32 v7, $5.000000070e-02;
	vm2 =	vgt.f32 v3, $5.000000070e-02  }
0x6a: {  	v7 =	vnsel vm1, $0xBF800000, v7;
	vm1 =	vcmask $0x300;
	v0 =	vmax.f32 v0, v4  }
0x6b: {  	v3 =	vnsel vm2, $0xBF800000, v3;
	vm0 =	vgt.f32 v2, $5.000000070e-02;
	vm2 =	vgt.f32 v9, $5.000000070e-02  }
0x6c: {  	v4 =	vsel vm1, $0x4E00, v10;
	v2 =	vnsel vm0, $0xBF800000, v2;
	v9 =	vnsel vm2, $0xBF800000, v9  }
0x6d: {  	vm2 =	vcmask $0x704;
	v2 =	vmax.f32 v3, v2;
	v3 =	vmax.f32 v7, v9  }
0x6e: {  	v0 =	vmax.f32 v8, v0;
	v4 =	vsel vm2, $0x4E10, v4;
	v2 =	vmax.f32 v2, v3  }
0x6f: {  	v1 =	vmax.f32 v1, v5;
	v0 =	vmax.f32 v0, v2  }
0x70: {  	s29 =	sadd.s32 $0x10, s4;
	v0 =	vmax.f32 v1, v0;
	v1 =	vsel vm1, $0x4E01, v10  }
0x71: {  	v3 =	vsel vm1, $0x4E03, v10;
	[tilespmem:s29+$0x0] =	vst v0;
	v0 =	vsel vm2, $0x4E11, v1  }
0x72: {  	s30 =	simm.s32 $0x13A00;
	v5 =	vsel vm1, $0x4E05, v10;
	v2 =	vsel vm1, $0x4E02, v10;
	v3 =	vsel vm2, $0x4E13, v3  }
0x73: {  	v6 =	vsel vm1, $0x4E06, v10;
	v2 =	vsel vm2, $0x4E12, v2;
	v1 =	vld.idx.msk [tilespmem:v4+s30+$0x0], $0xffff;
	v4 =	vsel vm1, $0x4E04, v10  }
0x74: {  	v8 =	vsel vm1, $0x4E08, v10;
	v11 =	vsel vm1, $0x4E0A, v10;
	v4 =	vsel vm2, $0x4E14, v4  }
0x75: {  	v12 =	vsel vm1, $0x4E0B, v10;
	v13 =	vsel vm1, $0x4E0C, v10;
	v5 =	vsel vm2, $0x4E15, v5  }
0x76: {  	v14 =	vsel vm1, $0x4E0D, v10;
	v15 =	vsel vm1, $0x4E0E, v10;
	v6 =	vsel vm2, $0x4E16, v6;
	v0 =	vld.idx.msk [tilespmem:v0+s30+$0x0], $0xffff  }
0x77: {  	vm0 =	vmmov $0x3;
	v8 =	vsel vm2, $0x4E18, v8;
	v9 =	vsel vm1, $0x4E09, v10;
	v3 =	vld.idx.msk [tilespmem:v3+s30+$0x0], $0xffff  }
0x78: {  	v7 =	vsel vm1, $0x4E07, v10;
	v11 =	vsel vm2, $0x4E1A, v11;
	v9 =	vsel vm2, $0x4E19, v9;
	v2 =	vld.idx.msk [tilespmem:v2+s30+$0x0], $0xffff  }
0x79: {  	v12 =	vsel vm2, $0x4E1B, v12;
	v13 =	vsel vm2, $0x4E1C, v13;
	vm3 =	vgt.f32 v1, $5.000000070e-02;
	v4 =	vld.idx.msk [tilespmem:v4+s30+$0x0], $0xffff  }
0x7a: {  	v14 =	vsel vm2, $0x4E1D, v14;
	v7 =	vsel vm2, $0x4E17, v7;
	v5 =	vld.idx.msk [tilespmem:v5+s30+$0x0], $0xffff;
	vm3 =	vmand vm3, vm0  }
0x7b: {  	v15 =	vsel vm2, $0x4E1E, v15;
	v6 =	vld.idx.msk [tilespmem:v6+s30+$0x0], $0xffff;
	v1 =	vnsel vm3, $0xBF800000, v1;
	vm3 =	vgt.f32 v0, $5.000000070e-02  }
0x7c: {  	v8 =	vld.idx.msk [tilespmem:v8+s30+$0x0], $0xffff;
	v10 =	vsel vm1, $0x4E0F, v10;
	vm4 =	vgt.f32 v3, $5.000000070e-02;
	vm3 =	vmand vm3, vm0  }
0x7d: {  	v9 =	vld.idx.msk [tilespmem:v9+s30+$0x0], $0xffff;
	vm4 =	vmand vm4, vm0;
	v0 =	vnsel vm3, $0xBF800000, v0;
	vm3 =	vgt.f32 v2, $5.000000070e-02  }
0x7e: {  	v3 =	vnsel vm4, $0xBF800000, v3;
	vm2 =	vgt.f32 v4, $5.000000070e-02;
	vm3 =	vmand vm3, vm0  }
0x7f: {  	v7 =	vld.idx.msk [tilespmem:v7+s30+$0x0], $0xffff;
	vm1 =	vmand vm2, vm0;
	v2 =	vnsel vm3, $0xBF800000, v2;
	vm3 =	vgt.f32 v5, $5.000000070e-02  }
0x80: {  	v0 =	vmax.f32 v1, v0;
	v4 =	vnsel vm1, $0xBF800000, v4;
	vm2 =	vmand vm3, vm0  }
0x81: {  	v12 =	vld.idx.msk [tilespmem:v12+s30+$0x0], $0xffff;
	vm3 =	vgt.f32 v6, $5.000000070e-02;
	v1 =	vmax.f32 v2, v3;
	v5 =	vnsel vm2, $0xBF800000, v5  }
0x82: {  	v13 =	vld.idx.msk [tilespmem:v13+s30+$0x0], $0xffff;
	vm1 =	vmand vm3, vm0;
	vm2 =	vgt.f32 v8, $5.000000070e-02;
	vm3 =	vgt.f32 v9, $5.000000070e-02  }
0x83: {  	v11 =	vld.idx.msk [tilespmem:v11+s30+$0x0], $0xffff;
	v1 =	vmax.f32 v0, v1;
	v0 =	vlaneseq.u32;
	v6 =	vnsel vm1, $0xBF800000, v6  }
0x84: {  	v15 =	vld.idx.msk [tilespmem:v15+s30+$0x0], $0xffff;
	vm1 =	vgt.f32 v7, $5.000000070e-02;
	vm2 =	vmand vm2, vm0;
	v2 =	vmax.f32 v4, v5  }
0x85: {  	v0 =	vmul.u32 $0x10, v0;
	vm1 =	vmand vm1, vm0;
	v8 =	vnsel vm2, $0xBF800000, v8  }
0x86: {  	s31 =	simm.s32 $0x0;
	vm2 =	vgt.f32 v12, $5.000000070e-02;
	v7 =	vnsel vm1, $0xBF800000, v7;
	vm1 =	vmand vm3, vm0  }
0x87: {  	s5 =	simm.s32 $0x100;
	v10 =	vld.idx.msk [tilespmem:v10+s30+$0x0], $0xffff;
	vm2 =	vmand vm2, vm0;
	vm3 =	vgt.f32 v13, $5.000000070e-02;
	v17 =	vor.u32 s31, v0  }
0x88: {  	v58 =	vor.u32 s5, v0;
	v9 =	vnsel vm1, $0xBF800000, v9;
	vm1 =	vgt.f32 v11, $5.000000070e-02  }
0x89: {  	v14 =	vld.idx.msk [tilespmem:v14+s30+$0x0], $0xffff;
	v12 =	vnsel vm2, $0xBF800000, v12;
	vm2 =	vgt.f32 v15, $5.000000070e-02;
	v3 =	vmax.f32 v6, v7  }
0x8a: {  	vm1 =	vmand vm1, vm0;
	vm2 =	vmand vm2, vm0;
	v4 =	vmax.f32 v8, v9  }
0x8b: {  	v2 =	vmax.f32 v2, v3;
	v8 =	vor.u32 $0x8, v0;
	v9 =	vor.u32 $0x9, v0  }
0x8c: {  	v11 =	vnsel vm1, $0xBF800000, v11;
	vm1 =	vmand vm3, vm0;
	vm3 =	vgt.f32 v10, $5.000000070e-02  }
0x8d: {  	v15 =	vnsel vm2, $0xBF800000, v15;
	v1 =	vmax.f32 v1, v2;
	v30 =	vor.u32 s31, v8  }
0x8e: {  	v31 =	vor.u32 s31, v9;
	v13 =	vnsel vm1, $0xBF800000, v13;
	vm1 =	vgt.f32 v14, $5.000000070e-02  }
0x8f: {  	v5 =	vmax.f32 v11, v12;
	v11 =	vor.u32 $0xB, v0;
	v12 =	vor.u32 $0xC, v0  }
0x90: {  	vm8 =	vlt.u32 v30, $0x4F0;
	vm9 =	vlt.u32 v31, $0x4F0;
	vm1 =	vmand vm1, vm0  }
0x91: {  	vm0 =	vmand vm3, vm0;
	v3 =	vmax.f32 v4, v5;
	v5 =	vor.u32 $0x5, v0  }
0x92: {  	v35 =	vor.u32 s31, v11;
	v37 =	vor.u32 s31, v12;
	v14 =	vnsel vm1, $0xBF800000, v14  }
0x93: {  	v10 =	vnsel vm0, $0xBF800000, v10;
	vm0 =	vlt.s32 v17, $0x4EF;
	v24 =	vor.u32 s31, v5  }
0x94: {  	vm1 =	vlt.u32 v17, $0x4F0;
	vm11 =	vlt.u32 v37, $0x4F0;
	v6 =	vmax.f32 v13, v14  }
0x95: {  	v7 =	vmax.f32 v15, v10;
	v10 =	vor.u32 $0xA, v0;
	v13 =	vor.u32 $0xD, v0  }
0x96: {  	v14 =	vor.u32 $0xE, v0;
	v15 =	vor.u32 $0xF, v0;
	v21 =	vnsel vm0, $0x4EF, v17  }
0x97: {  	v4 =	vmax.f32 v6, v7;
	v6 =	vor.u32 $0x6, v0;
	v7 =	vor.u32 $0x7, v0  }
0x98: {  	v33 =	vor.u32 s31, v10;
	v39 =	vor.u32 s31, v13;
	v2 =	vmax.f32 v3, v4  }
0x99: {  	v41 =	vor.u32 s31, v14;
	v16 =	vmax.f32 v1, v2;
	v1 =	vor.u32 $0x1, v0  }
0x9a: {  	v3 =	vor.u32 $0x3, v0;
	v2 =	vor.u32 $0x2, v0;
	v18 =	vor.u32 s31, v1  }
0x9b: {  	v4 =	vor.u32 $0x4, v0;
	v19 =	vor.u32 s31, v2;
	vm0 =	vlt.s32 v18, $0x4EF  }
0x9c: {  	v20 =	vor.u32 s31, v3;
	v23 =	vnsel vm0, $0x4EF, v18;
	vm0 =	vlt.s32 v19, $0x4EF  }
0x9d: {  	v22 =	vor.u32 s31, v4;
	v25 =	vnsel vm0, $0x4EF, v19;
	vm0 =	vlt.s32 v20, $0x4EF  }
0x9e: {  	v43 =	vor.u32 s31, v15;
	v27 =	vnsel vm0, $0x4EF, v20;
	vm0 =	vlt.s32 v22, $0x4EF  }
0x9f: {  	s3 =	simm.s32 $0x18880;
	v26 =	vor.u32 s31, v6;
	[tilespmem:$0x18D60] =	vst v16;
	v29 =	vnsel vm0, $0x4EF, v22;
	vm0 =	vlt.s32 v24, $0x4EF  }
0xa0: {  	v28 =	vor.u32 s31, v7;
	v21 =	vld.idx.msk [tilespmem:v21+s3+$0x0], $0xffff;
	v16 =	vnsel vm0, $0x4EF, v24;
	vm0 =	vlt.s32 v26, $0x4EF  }
0xa1: {  	vm10 =	vlt.u32 v33, $0x4F0;
	v57 =	vnsel vm0, $0x4EF, v26;
	vm0 =	vlt.s32 v28, $0x4EF;
	v23 =	vld.idx.msk [tilespmem:v23+s3+$0x0], $0xffff  }
0xa2: {  	vm15 =	vlt.u32 v43, $0x4F0;
	v34 =	vnsel vm0, $0x4EF, v28;
	vm0 =	vlt.s32 v30, $0x4EF;
	v25 =	vld.idx.msk [tilespmem:v25+s3+$0x0], $0xffff  }
0xa3: {  	vm6 =	vlt.u32 v26, $0x4F0;
	v36 =	vnsel vm0, $0x4EF, v30;
	vm0 =	vlt.s32 v31, $0x4EF;
	v27 =	vld.idx.msk [tilespmem:v27+s3+$0x0], $0xffff  }
0xa4: {  	vm7 =	vlt.u32 v28, $0x4F0;
	v38 =	vnsel vm0, $0x4EF, v31;
	vm0 =	vlt.s32 v33, $0x4EF;
	v29 =	vld.idx.msk [tilespmem:v29+s3+$0x0], $0xffff  }
0xa5: {  	vm14 =	vlt.u32 v20, $0x4F0;
	v40 =	vnsel vm0, $0x4EF, v33;
	vm0 =	vlt.s32 v35, $0x4EF;
	v16 =	vld.idx.msk [tilespmem:v16+s3+$0x0], $0xffff  }
0xa6: {  	vm5 =	vlt.u32 v22, $0x4F0;
	v42 =	vnsel vm0, $0x4EF, v35;
	vm0 =	vlt.s32 v37, $0x4EF;
	v32 =	vld.idx.msk [tilespmem:v57+s3+$0x0], $0xffff  }
0xa7: {  	v59 =	vor.u32 s5, v1;
	v17 =	vnsel vm0, $0x4EF, v37;
	vm0 =	vlt.s32 v39, $0x4EF;
	v34 =	vld.idx.msk [tilespmem:v34+s3+$0x0], $0xffff  }
0xa8: {  	vm2 =	vlt.u32 v18, $0x4F0;
	v18 =	vnsel vm0, $0x4EF, v39;
	vm0 =	vlt.s32 v41, $0x4EF;
	v36 =	vld.idx.msk [tilespmem:v36+s3+$0x0], $0xffff  }
0xa9: {  	vm3 =	vlt.u32 v19, $0x4F0;
	v19 =	vnsel vm0, $0x4EF, v41;
	vm0 =	vlt.s32 v43, $0x4EF;
	v38 =	vld.idx.msk [tilespmem:v38+s3+$0x0], $0xffff  }
0xaa: {  	v21 =	vnsel vm1, $0xBF800000, v21;
	vm1 =	vlt.u32 v35, $0x4F0;
	v20 =	vnsel vm0, $0x4EF, v43;
	v22 =	vld.idx.msk [tilespmem:v40+s3+$0x0], $0xffff  }
0xab: {  	v31 =	vor.u32 s5, v10;
	v33 =	vor.u32 s5, v14;
	vm0 =	vlt.u32 v24, $0x4F0;
	v24 =	vld.idx.msk [tilespmem:v42+s3+$0x0], $0xffff  }
0xac: {  	v23 =	vnsel vm2, $0xBF800000, v23;
	v25 =	vnsel vm3, $0xBF800000, v25;
	v26 =	vnsel vm14, $0xBF800000, v27;
	v17 =	vld.idx.msk [tilespmem:v17+s3+$0x0], $0xffff  }
0xad: {  	vm2 =	vlt.u32 v39, $0x4F0;
	v21 =	vmax.f32 v21, v23;
	v23 =	vmax.f32 v25, v26;
	v18 =	vld.idx.msk [tilespmem:v18+s3+$0x0], $0xffff  }
0xae: {  	vm3 =	vlt.u32 v41, $0x4F0;
	v21 =	vmax.f32 v21, v23;
	v23 =	vnsel vm5, $0xBF800000, v29;
	v19 =	vld.idx.msk [tilespmem:v19+s3+$0x0], $0xffff  }
0xaf: {  	v16 =	vnsel vm0, $0xBF800000, v16;
	v25 =	vnsel vm6, $0xBF800000, v32;
	v26 =	vnsel vm7, $0xBF800000, v34;
	v20 =	vld.idx.msk [tilespmem:v20+s3+$0x0], $0xffff  }
0xb0: {  	vm0 =	vlt.s32 v58, $0x4EF;
	v16 =	vmax.f32 v23, v16;
	v23 =	vmax.f32 v25, v26  }
0xb1: {  	v27 =	vnsel vm8, $0xBF800000, v36;
	v28 =	vnsel vm9, $0xBF800000, v38;
	v16 =	vmax.f32 v16, v23  }
0xb2: {  	v25 =	vmax.f32 v27, v28;
	v22 =	vnsel vm10, $0xBF800000, v22;
	v24 =	vnsel vm1, $0xBF800000, v24  }
0xb3: {  	v16 =	vmax.f32 v21, v16;
	v17 =	vnsel vm11, $0xBF800000, v17;
	v22 =	vmax.f32 v22, v24  }
0xb4: {  	v18 =	vnsel vm2, $0xBF800000, v18;
	v19 =	vnsel vm3, $0xBF800000, v19;
	v20 =	vnsel vm15, $0xBF800000, v20  }
0xb5: {  	v17 =	vmax.f32 v17, v18;
	v18 =	vmax.f32 v19, v20;
	v19 =	vmax.f32 v25, v22  }
0xb6: {  	v22 =	vnsel vm0, $0x4EF, v58;
	vm0 =	vlt.s32 v59, $0x4EF;
	v17 =	vmax.f32 v17, v18  }
0xb7: {  	v23 =	vnsel vm0, $0x4EF, v59;
	v17 =	vmax.f32 v19, v17;
	v19 =	vor.u32 s5, v2  }
0xb8: {  	v21 =	vmax.f32 v16, v17;
	v16 =	vor.u32 s5, v3;
	vm0 =	vlt.s32 v19, $0x4EF  }
0xb9: {  	v17 =	vor.u32 s5, v4;
	v26 =	vnsel vm0, $0x4EF, v19;
	vm0 =	vlt.s32 v16, $0x4EF  }
0xba: {  	s4 =	simm.s32 $0x18D80;
	v18 =	vor.u32 s5, v5;
	v27 =	vnsel vm0, $0x4EF, v16;
	vm0 =	vlt.s32 v17, $0x4EF  }
0xbb: {  	v20 =	vor.u32 s5, v6;
	[tilespmem:s4+$0x0] =	vst v21;
	v30 =	vnsel vm0, $0x4EF, v17;
	vm0 =	vlt.s32 v18, $0x4EF  }
0xbc: {  	v24 =	vor.u32 s5, v7;
	v21 =	vld.idx.msk [tilespmem:v22+s3+$0x0], $0xffff;
	v60 =	vnsel vm0, $0x4EF, v18;
	vm0 =	vlt.s32 v20, $0x4EF  }
0xbd: {  	v25 =	vor.u32 s5, v8;
	v22 =	vld.idx.msk [tilespmem:v23+s3+$0x0], $0xffff;
	v61 =	vnsel vm0, $0x4EF, v20;
	vm0 =	vlt.s32 v24, $0x4EF  }
0xbe: {  	v28 =	vor.u32 s5, v9;
	v26 =	vld.idx.msk [tilespmem:v26+s3+$0x0], $0xffff;
	v62 =	vnsel vm0, $0x4EF, v24;
	vm0 =	vlt.s32 v25, $0x4EF  }
0xbf: {  	v37 =	vor.u32 s5, v15;
	v29 =	vld.idx.msk [tilespmem:v27+s3+$0x0], $0xffff;
	v63 =	vnsel vm0, $0x4EF, v25;
	vm0 =	vlt.s32 v28, $0x4EF  }
0xc0: {  	v32 =	vor.u32 s5, v11;
	v23 =	vld.idx.msk [tilespmem:v30+s3+$0x0], $0xffff;
	v41 =	vnsel vm0, $0x4EF, v28;
	vm0 =	vlt.s32 v31, $0x4EF  }
0xc1: {  	v36 =	vor.u32 s5, v12;
	v27 =	vld.idx.msk [tilespmem:v60+s3+$0x0], $0xffff;
	v40 =	vnsel vm0, $0x4EF, v31;
	vm0 =	vlt.s32 v32, $0x4EF  }
0xc2: {  	v34 =	vor.u32 s5, v13;
	vm1 =	vlt.s32 v36, $0x4EF;
	v30 =	vld.idx.msk [tilespmem:v61+s3+$0x0], $0xffff;
	v39 =	vnsel vm0, $0x4EF, v32  }
0xc3: {  	v42 =	vnsel vm1, $0x4EF, v36;
	vm1 =	vlt.u32 v59, $0x4F0;
	vm2 =	vlt.s32 v34, $0x4EF;
	v35 =	vld.idx.msk [tilespmem:v62+s3+$0x0], $0xffff  }
0xc4: {  	v43 =	vnsel vm2, $0x4EF, v34;
	vm2 =	vlt.s32 v33, $0x4EF;
	s5 =	simm.s32 $0x200;
	vm0 =	vlt.u32 v58, $0x4F0;
	v38 =	vld.idx.msk [tilespmem:v63+s3+$0x0], $0xffff  }
.LBB2_4:
0xc5: {  	p0 =	sne.s32 s5, $0x400;
	vm4 =	vlt.u32 v19, $0x4F0;
	v19 =	vld.idx.msk [tilespmem:v41+s3+$0x0], $0xffff;
	v41 =	vnsel vm2, $0x4EF, v33;
	vm2 =	vlt.s32 v37, $0x4EF  }
0xc6: {  	vm5 =	vlt.u32 v16, $0x4F0;
	vm3 =	vlt.u32 v17, $0x4F0;
	v16 =	vld.idx.msk [tilespmem:v40+s3+$0x0], $0xffff;
	v17 =	vnsel vm2, $0x4EF, v37  }
0xc7: {  	vm6 =	vlt.u32 v18, $0x4F0;
	vm7 =	vlt.u32 v20, $0x4F0;
	vm8 =	vlt.u32 v24, $0x4F0;
	v18 =	vld.idx.msk [tilespmem:v39+s3+$0x0], $0xffff  }
0xc8: {  	vm9 =	vlt.u32 v25, $0x4F0;
	vm10 =	vlt.u32 v28, $0x4F0;
	vm2 =	vlt.u32 v31, $0x4F0;
	v20 =	vld.idx.msk [tilespmem:v42+s3+$0x0], $0xffff  }
0xc9: {  	v21 =	vnsel vm0, $0xBF800000, v21;
	vm0 =	vlt.u32 v32, $0x4F0;
	vm11 =	vlt.u32 v36, $0x4F0;
	v24 =	vld.idx.msk [tilespmem:v43+s3+$0x0], $0xffff  }
0xca: {  	v22 =	vnsel vm1, $0xBF800000, v22;
	v25 =	vnsel vm4, $0xBF800000, v26;
	v26 =	vnsel vm5, $0xBF800000, v29;
	v28 =	vld.idx.msk [tilespmem:v41+s3+$0x0], $0xffff  }
0xcb: {  	vm1 =	vlt.u32 v34, $0x4F0;
	v21 =	vmax.f32 v21, v22;
	v22 =	vmax.f32 v25, v26;
	v17 =	vld.idx.msk [tilespmem:v17+s3+$0x0], $0xffff  }
0xcc: {  	vm4 =	vlt.u32 v33, $0x4F0;
	vm5 =	vlt.u32 v37, $0x4F0;
	v21 =	vmax.f32 v21, v22  }
0xcd: {  	v25 =	vnsel vm7, $0xBF800000, v30;
	v22 =	vnsel vm3, $0xBF800000, v23;
	v23 =	vnsel vm6, $0xBF800000, v27  }
0xce: {  	v26 =	vnsel vm8, $0xBF800000, v35;
	v27 =	vnsel vm9, $0xBF800000, v38;
	v19 =	vnsel vm10, $0xBF800000, v19  }
0xcf: {  	v22 =	vmax.f32 v22, v23;
	v23 =	vmax.f32 v25, v26;
	v19 =	vmax.f32 v27, v19  }
0xd0: {  	v16 =	vnsel vm2, $0xBF800000, v16;
	v18 =	vnsel vm0, $0xBF800000, v18;
	v20 =	vnsel vm11, $0xBF800000, v20  }
0xd1: {  	v24 =	vnsel vm1, $0xBF800000, v24;
	v25 =	vnsel vm4, $0xBF800000, v28;
	v17 =	vnsel vm5, $0xBF800000, v17  }
0xd2: {  	v16 =	vmax.f32 v16, v18;
	v18 =	vmax.f32 v20, v24;
	v17 =	vmax.f32 v25, v17  }
0xd3: {  	v16 =	vmax.f32 v19, v16;
	v20 =	vmax.f32 v22, v23;
	v17 =	vmax.f32 v18, v17  }
0xd4: {  	v18 =	vmax.f32 v21, v20;
	v16 =	vmax.f32 v16, v17  }
0xd5: {  	s4 =	sadd.s32 $0x10, s4;
	v35 =	vor.u32 s5, v0;
	v38 =	vor.u32 s5, v1;
	v17 =	vmax.f32 v18, v16  }
0xd6: {  	vm0 =	vlt.s32 v35, $0x4EF;
	v19 =	vor.u32 s5, v2;
	v16 =	vor.u32 s5, v3;
	[tilespmem:s4+$0x0] =	vst v17  }
0xd7: {  	v21 =	vnsel vm0, $0x4EF, v35;
	vm0 =	vlt.s32 v38, $0x4EF;
	v17 =	vor.u32 s5, v4  }
0xd8: {  	v22 =	vnsel vm0, $0x4EF, v38;
	vm0 =	vlt.s32 v19, $0x4EF;
	v18 =	vor.u32 s5, v5  }
0xd9: {  	v20 =	vor.u32 s5, v6;
	v23 =	vnsel vm0, $0x4EF, v19;
	vm0 =	vlt.s32 v16, $0x4EF  }
0xda: {  	v24 =	vor.u32 s5, v7;
	v27 =	vnsel vm0, $0x4EF, v16;
	vm0 =	vlt.s32 v17, $0x4EF  }
0xdb: {  	v25 =	vor.u32 s5, v8;
	v30 =	vnsel vm0, $0x4EF, v17;
	vm0 =	vlt.s32 v18, $0x4EF  }
0xdc: {  	v28 =	vor.u32 s5, v9;
	v33 =	vnsel vm0, $0x4EF, v18;
	vm0 =	vlt.s32 v20, $0x4EF;
	v21 =	vld.idx.msk [tilespmem:v21+s3+$0x0], $0xffff  }
0xdd: {  	v31 =	vor.u32 s5, v10;
	v37 =	vnsel vm0, $0x4EF, v20;
	vm0 =	vlt.s32 v24, $0x4EF;
	v22 =	vld.idx.msk [tilespmem:v22+s3+$0x0], $0xffff  }
0xde: {  	v32 =	vor.u32 s5, v11;
	v42 =	vnsel vm0, $0x4EF, v24;
	vm0 =	vlt.s32 v25, $0x4EF;
	v26 =	vld.idx.msk [tilespmem:v23+s3+$0x0], $0xffff  }
0xdf: {  	v36 =	vor.u32 s5, v12;
	v43 =	vnsel vm0, $0x4EF, v25;
	vm0 =	vlt.s32 v28, $0x4EF;
	v29 =	vld.idx.msk [tilespmem:v27+s3+$0x0], $0xffff  }
.Ltmp2:
0xe0: {  	v34 =	vor.u32 s5, v13;
	v41 =	vnsel vm0, $0x4EF, v28;
	vm0 =	vlt.s32 v31, $0x4EF;
	v23 =	vld.idx.msk [tilespmem:v30+s3+$0x0], $0xffff;
	(pc) =	sbr.rel @p0 .LBB2_4-.Ltmp2, $4  }
0xe1: {  	v40 =	vnsel vm0, $0x4EF, v31;
	vm0 =	vlt.s32 v32, $0x4EF;
	v27 =	vld.idx.msk [tilespmem:v33+s3+$0x0], $0xffff;
	v33 =	vor.u32 s5, v14  }
0xe2: {  	vm1 =	vlt.s32 v36, $0x4EF;
	v39 =	vnsel vm0, $0x4EF, v32;
	v30 =	vld.idx.msk [tilespmem:v37+s3+$0x0], $0xffff;
	v37 =	vor.u32 s5, v15  }
0xe3: {  	vm2 =	vlt.s32 v34, $0x4EF;
	vm0 =	vlt.u32 v35, $0x4F0;
	v35 =	vld.idx.msk [tilespmem:v42+s3+$0x0], $0xffff;
	v42 =	vnsel vm1, $0x4EF, v36  }
0xe4: {  	s5 =	sadd.s32 $0x100, s5;
	vm1 =	vlt.u32 v38, $0x4F0;
	v38 =	vld.idx.msk [tilespmem:v43+s3+$0x0], $0xffff;
	v43 =	vnsel vm2, $0x4EF, v34;
	vm2 =	vlt.s32 v33, $0x4EF  }
0xe5: {  	_ =	sdelay $0x2  }
0xe6: {  	vm3 =	vlt.u32 v19, $0x4F0;
	v0 =	vnsel vm2, $0x4EF, v33;
	vm11 =	vlt.s32 v37, $0x4EF  }
0xe7: {  	v1 =	vld.idx.msk [tilespmem:v41+s3+$0x0], $0xffff;
	vm4 =	vlt.u32 v16, $0x4F0;
	vm5 =	vlt.u32 v17, $0x4F0;
	vm2 =	vlt.u32 v18, $0x4F0  }
0xe8: {  	v3 =	vld.idx.msk [tilespmem:v40+s3+$0x0], $0xffff;
	vm6 =	vlt.u32 v20, $0x4F0;
	vm7 =	vlt.u32 v24, $0x4F0;
	v2 =	vnsel vm11, $0x4EF, v37  }
0xe9: {  	v4 =	vld.idx.msk [tilespmem:v39+s3+$0x0], $0xffff;
	vm8 =	vlt.u32 v25, $0x4F0;
	vm9 =	vlt.u32 v28, $0x4F0;
	vm10 =	vlt.u32 v31, $0x4F0  }
0xea: {  	v5 =	vld.idx.msk [tilespmem:v42+s3+$0x0], $0xffff;
	v6 =	vnsel vm0, $0xBF800000, v21;
	vm12 =	vlt.u32 v32, $0x4F0;
	v8 =	vnsel vm1, $0xBF800000, v22  }
0xeb: {  	v7 =	vld.idx.msk [tilespmem:v43+s3+$0x0], $0xffff;
	vm13 =	vlt.u32 v34, $0x4F0;
	vm14 =	vlt.u32 v33, $0x4F0;
	vm15 =	vlt.u32 v37, $0x4F0  }
0xec: {  	vm11 =	vlt.u32 v36, $0x4F0;
	v9 =	vnsel vm3, $0xBF800000, v26;
	v10 =	vnsel vm4, $0xBF800000, v29;
	v0 =	vld.idx.msk [tilespmem:v0+s3+$0x0], $0xffff  }
0xed: {  	v6 =	vmax.f32 v6, v8;
	v60 =	vnsel vm5, $0xBF800000, v23;
	v61 =	vnsel vm2, $0xBF800000, v27;
	v2 =	vld.idx.msk [tilespmem:v2+s3+$0x0], $0xffff  }
0xee: {  	v59 =	vmax.f32 v9, v10;
	v62 =	vnsel vm6, $0xBF800000, v30;
	v8 =	vmax.f32 v60, v61  }
0xef: {  	v6 =	vmax.f32 v6, v59;
	v11 =	vnsel vm7, $0xBF800000, v35;
	v12 =	vnsel vm8, $0xBF800000, v38  }
0xf0: {  	v63 =	vmax.f32 v62, v11;
	v1 =	vnsel vm9, $0xBF800000, v1;
	v3 =	vnsel vm10, $0xBF800000, v3  }
0xf1: {  	v4 =	vnsel vm12, $0xBF800000, v4;
	v5 =	vnsel vm11, $0xBF800000, v5;
	v7 =	vnsel vm13, $0xBF800000, v7  }
0xf2: {  	v1 =	vmax.f32 v12, v1;
	v0 =	vnsel vm14, $0xBF800000, v0;
	v2 =	vnsel vm15, $0xBF800000, v2  }
0xf3: {  	v3 =	vmax.f32 v3, v4;
	v4 =	vmax.f32 v5, v7;
	v0 =	vmax.f32 v0, v2  }
0xf4: {  	v1 =	vmax.f32 v1, v3;
	v2 =	vmax.f32 v8, v63;
	v0 =	vmax.f32 v4, v0  }
0xf5: {  	v2 =	vmax.f32 v6, v2;
	v0 =	vmax.f32 v1, v0  }
0xf6: {  	s30 =	sadd.s32 $0x10, s4;
	v0 =	vmax.f32 v2, v0  }
0xf7: {  	[tilespmem:s30+$0x0] =	vst v0  }
0xf8: {  	v0 =	vld [tilespmem:$0x18D80]  }
0xf9: {  	v1 =	vld [tilespmem:$0x18D90]  }
0xfa: {  	v2 =	vld [tilespmem:$0x18DA0]  }
0xfb: {  	v3 =	vld [tilespmem:$0x18DB0];
	_ =	sdelay $0x1  }
0xfc: {  	v4 =	vld [tilespmem:$0x18DC0];
	_ =	sdelay $0x2  }
0xfd: {  	v5 =	vmax.f32 v0, v1;
	v6 =	vmax.f32 v2, v3  }
0xfe: {  	v5 =	vmax.f32 v5, v6  }
0xff: {  	v5 =	vmax.f32 v5, v4  }
0x100: {  	(xrf0) =	vmax.scan.msk.f32 $0xffff, v5;
	_ =	sdelay $0x5  }
0x101: {  	v5, _, _ =	vpop (xrf0)  }
0x102: {  	(v2sf) =	vpush v5, $0xF;
	_ =	sdelay $0xe  }
0x103: {  	s31 =	simm.s32 $0x2;
	s4 =	spop (v2sf)  }
0x104: {  	_ =	swait.ge [sflag:s31], $0x4E20  }
0x105: {  	[sflag:s31] =	ssyncset.done $0x0  }
0x106: {  	[sflag:s31] =	ssyncadd.s32 $0xFFFFB1E0  }
0x107: {  	_ =	swait.ge [sflag:s31], $0x4E20  }
0x108: {  	[sflag:s31] =	ssyncset.done $0x0  }
0x109: {  	[sflag:s31] =	ssyncadd.s32 $0xFFFFB1E0  }
0x10a: {  	p0 =	sgt.f32 s4, $0.0e+00;
	_ =	swait.ge [sflag:s31], $0x4E20  }
.Ltmp3:
0x10b: {  	[sflag:s31] =	ssyncset.done $0x0;
	(pc) =	sbr.rel @!p0 .LBB2_23-.Ltmp3, $4  }
0x10c: {  	[sflag:s31] =	ssyncadd.s32 $0xFFFFB1E0  }
0x10d: {  	_ =	swait.ge [sflag:s31], $0x4E20  }
0x10e: {  	[sflag:s31] =	ssyncset.done $0x0  }
0x10f: {  	s3 =	simm.s32 $0x0;
	[sflag:s31] =	ssyncadd.s32 $0xFFFFB1E0  }
.Ltmp4:
0x110: {  	(pc) =	sbr.rel .LBB2_7-.Ltmp4, $4  }
0x111: {  	v5 =	vlaneseq.u32;
	s5 =	simm.s32 $0x18880;
	s6 =	simm.s32 $0x13A00;
	s7 =	simm.s32 $0x4E80  }
0x112: {  	s8 =	simm.s32 $0x9D00;
	s9 =	simm.s32 $0xEB80;
	vm0 =	vmxor vm0, vm0;
	vm1 =	vmmov $0x1;
	s10 =	simm.s32 $0x18E00;
	v7 =	vimm.f32 $-1.000000000e+00  }
0x113: {  	s11 =	simm.s32 $0x18E80;
	s12 =	simm.s32 $0x18F00;
	s13 =	simm.s32 $0x18F80;
	v12 =	vimm.s32 $0x0;
	v6 =	vmul.u32 $0xFFFFFFFF, v5;
	v8 =	vor.u32 $0x10, v5  }
0x114: {  	s14 =	simm.s32 $0x19000;
	s15 =	simm.s32 $0x19080;
	s16 =	simm.s32 $0x19100;
	v9 =	vor.u32 $0x20, v5;
	v10 =	vor.u32 $0x30, v5;
	v11 =	vor.u32 $0x40, v5  }
.LBB2_27:
0x115: {  	v25 =	vimm.s32 $0x80000000  }
.LBB2_21:
0x116: {  	(xrf0) =	vmax.scan.msk.u32 $0xffff, v25;
	_ =	sdelay $0x2  }
0x117: {  	vm3 =	veq.s32 v24, v5;
	vm2 =	veq.s32 v20, v5;
	vm5 =	veq.s32 v20, v8  }
0x118: {  	vm4 =	veq.s32 v20, v10;
	vm7 =	veq.s32 v22, v5;
	vm6 =	veq.s32 v20, v11  }
0x119: {  	v23 =	vsel vm3, $0xBF800000, v23;
	v52 =	vsel vm2, $0xBF800000, v0;
	vm3 =	veq.s32 v20, v9  }
0x11a: {  	v53 =	vsel vm5, $0xBF800000, v1;
	v54 =	vsel vm4, $0xBF800000, v3;
	v26 =	vsel vm3, $0xBF800000, v2;
	v25, _, _ =	vpop (xrf0)  }
0x11b: {  	v24 =	vmax.f32 v52, v53;
	(v2sf) =	vpush v25, $0xF;
	v25 =	vmax.f32 v26, v54  }
0x11c: {  	v55 =	vsel vm7, $0xBF800000, v21;
	v57 =	vsel vm6, $0xBF800000, v4;
	(xrf0) =	vmax.scan.msk.f32 $0xffff, v23;
	v56 =	vmax.f32 v24, v25  }
0x11d: {  	(xrf0) =	vmax.scan.msk.f32 $0xffff, v55;
	v58 =	vmax.f32 v56, v57  }
0x11e: {  	(xrf0) =	vmax.scan.msk.f32 $0xffff, v58;
	_ =	sdelay $0x3  }
0x11f: {  	v59, _, _ =	vpop (xrf0)  }
0x120: {  	v60, _, _ =	vpop (xrf0);
	(v2sf) =	vpush v59, $0xF  }
0x121: {  	(v2sf) =	vpush v60, $0xF;
	v61, _, _ =	vpop (xrf0)  }
0x122: {  	(v2sf) =	vpush v61, $0xF;
	_ =	sdelay $0x6  }
0x123: {  	s17 =	spop (v2sf)  }
0x124: {  	vm7 =	vmmov vm0;
	p0 =	seq.s32 s17, $0x80000000  }
0x125: {  	vm7 =	vmneg @p0 vm7  }
0x126: {  	vm7 =	vmand vm7, vm1  }
0x127: {  	v62 =	vmov s3;
	_ =	sdelay $0x1  }
0x128: {  	s18 =	simm.s32 $0x1;
	s30 =	spop (v2sf)  }
0x129: {  	s18 =	simm.s32 @!p0 $0x0;
	s19 =	spop (v2sf)  }
0x12a: {  	s3 =	sadd.s32 s18, s3;
	s17 =	smax.f32 s19, s30;
	s31 =	spop (v2sf)  }
0x12b: {  	v63 =	vmov s4;
	p0 =	sgt.u32 s3, $0x63;
	[tilespmem:v62+s10+$0x0] =	vst.idx.msk vm7, v19;
	s4 =	smax.f32 s31, s17  }
0x12c: {  	[tilespmem:v62+s11+$0x0] =	vst.idx.msk vm7, v17;
	p1 =	sgt.f32 @!p0 s4, $0.0e+00  }
0x12d: {  	[tilespmem:v62+s12+$0x0] =	vst.idx.msk vm7, v16  }
0x12e: {  	[tilespmem:v62+s13+$0x0] =	vst.idx.msk vm7, v15;
	p1 =	por p0, !p1  }
.Ltmp5:
0x12f: {  	[tilespmem:v62+s14+$0x0] =	vst.idx.msk vm7, v18;
	(pc) =	sbr.rel @p1 .LBB2_22-.Ltmp5, $4  }
0x130: {  	[tilespmem:v62+s15+$0x0] =	vst.idx.msk vm7, v14  }
0x131: {  	v15 =	vbroadcast v59, $0xF;
	[tilespmem:v62+s16+$0x0] =	vst.idx.msk vm7, v63  }
0x132: {  	v0 =	vsel vm2, s17, v0;
	v1 =	vsel vm5, s17, v1;
	[tilespmem:v14+s6+$0x0] =	vst.idx.msk $0x1, v7  }
0x133: {  	v2 =	vsel vm3, s17, v2;
	v3 =	vsel vm4, s17, v3;
	v4 =	vsel vm6, s17, v4;
	[tilespmem:v13+s5+$0x0] =	vst.idx.msk $0x1, v15  }
.LBB2_7:
0x134: {  	vm2 =	veq.f32 v0, s4  }
0x135: {  	v13 =	vmctz.xlane vm2;
	_ =	sdelay $0x1  }
0x136: {  	vm2 =	veq.f32 v1, s4;
	vm3 =	vlt.s32 v13, $0x40000000  }
0x137: {  	v14 =	vmctz.xlane vm2;
	vm2 =	vlt.s32 v13, $0x10;
	v13 =	vnsel vm3, $0x40000000, v13  }
0x138: {  	v13 =	vnsel vm2, $0x40000000, v13;
	vm2 =	veq.f32 v2, s4  }
0x139: {  	v15 =	vadd.s32 $0x10, v14;
	v16 =	vmctz.xlane vm2  }
0x13a: {  	vm4 =	veq.f32 v3, s4;
	vm3 =	vlt.s32 v13, v15;
	vm2 =	vlt.s32 v14, $0x10  }
0x13b: {  	v14 =	vsel vm3, v13, v15;
	vm3 =	vlt.s32 v16, $0x10;
	v15 =	vadd.s32 $0x20, v16  }
0x13c: {  	v13 =	vsel vm2, v14, v13;
	v14 =	vnsel vm3, $0x40000000, v15;
	v15 =	vmctz.xlane vm4  }
0x13d: {  	vm3 =	veq.f32 v4, s4;
	vm2 =	vlt.s32 v13, v14  }
0x13e: {  	v16 =	vmctz.xlane vm3;
	vm3 =	vlt.s32 v15, $0x10;
	v15 =	vadd.s32 $0x30, v15  }
0x13f: {  	v13 =	vsel vm2, v13, v14;
	v14 =	vnsel vm3, $0x40000000, v15  }
0x140: {  	vm3 =	vlt.s32 v16, $0x10;
	v15 =	vadd.s32 $0x40, v16;
	vm2 =	vlt.s32 v13, v14  }
0x141: {  	v13 =	vsel vm2, v13, v14;
	v14 =	vnsel vm3, $0x40000000, v15  }
0x142: {  	vm2 =	vlt.s32 v13, v14  }
0x143: {  	v20 =	vsel vm2, v13, v14  }
0x144: {  	v13 =	vshll.u32 v20, $0x4  }
0x145: {  	v14 =	vor.u32 v5, v13;
	_ =	sdelay $0x4  }
0x146: {  	v21 =	vld.idx.msk [tilespmem:v14+s5+$0x0], $0xffff;
	_ =	sdelay $0x4  }
0x147: {  	vm2 =	veq.f32 v21, s4  }
0x148: {  	v22 =	vmctz.xlane vm2;
	_ =	sdelay $0x1  }
0x149: {  	v13 =	vadd.s32 v22, v13  }
0x14a: {  	v14 =	vshll.u32 v13, $0x4  }
0x14b: {  	v15 =	vor.u32 v5, v14;
	_ =	sdelay $0x4  }
0x14c: {  	v15 =	vld.idx.msk [tilespmem:v15+s6+$0x0], $0xffff;
	_ =	sdelay $0x4  }
0x14d: {  	vm2 =	vgt.f32 v15, $5.000000070e-02  }
0x14e: {  	v23 =	vnsel vm2, $0xBF800000, v15  }
0x14f: {  	vm2 =	veq.f32 v23, s4  }
0x150: {  	v24 =	vmctz.xlane vm2;
	_ =	sdelay $0x1  }
0x151: {  	v14 =	vadd.s32 v24, v14;
	_ =	sdelay $0x3  }
0x152: {  	s17 =	simm.s32 $0x0  }
0x153: {  	v19 =	vld.idx.msk [tilespmem:v14+s17+$0x0], $0xffff  }
0x154: {  	v17 =	vld.idx.msk [tilespmem:v14+s7+$0x0], $0xffff  }
0x155: {  	v16 =	vld.idx.msk [tilespmem:v14+s8+$0x0], $0xffff  }
0x156: {  	v15 =	vld.idx.msk [tilespmem:v14+s9+$0x0], $0xffff  }
0x157: {  	s18 =	sadd.s32 $0xF, s3  }
0x158: {  	s18 =	sshrl.u32 s18, $0x4  }
0x159: {  	p0 =	seq.s32 s18, $0x0  }
.Ltmp6:
0x15a: {  	_ = 	snop;
	(pc) =	sbr.rel @p0 .LBB2_27-.Ltmp6, $3  }
0x15b: {  	v18 =	vsub.f32 v16, v19;
	v25 =	vsub.f32 v15, v17;
	_ =	sdelay $0x1  }
0x15c: {  	v18 =	vmax.f32 v18, $0.0e+00;
	v25 =	vmax.f32 v25, $0.0e+00  }
0x15d: {  	v18 =	vmul.f32 v25, v18  }
0x15e: {  	p4 =	sne.s32 s18, $0x1  }
.Ltmp7:
0x15f: {  	_ = 	snop;
	(pc) =	sbr.rel @!p4 .LBB2_9-.Ltmp7, $4  }
0x160: {  	v26 =	vld [tilespmem:s10+$0x0]  }
0x161: {  	v27 =	vld [tilespmem:s11+$0x0]  }
0x162: {  	v30 =	vld [tilespmem:s12+$0x0];
	s18 =	sadd.s32 $0xFFFFFFFF, s18;
	p0 =	por $0x0, $0x0  }
0x163: {  	v25 =	vadd.s32 s3, v6;
	v28 =	vld [tilespmem:s13+$0x0];
	p1 =	por $0x0, $0x0;
	p2 =	por $0x0, $0x0;
	p3 =	por $0x0, $0x0  }
0x164: {  	_ = 	snop  }
0x165: {  	p4 =	sne.s32 s18, $0x1  }
.Ltmp8:
0x166: {  	v29 =	vld [tilespmem:s14+$0x0];
	s19 =	simm.s32 $0x18E10;
	(pc) =	sbr.rel @!p4 .LBB2_11-.Ltmp8, $4  }
0x167: {  	s29 =	simm.s32 $0x18E90;
	v31 =	vmax.f32 v19, v26;
	v26 =	vld [tilespmem:s19+$0x0];
	v30 =	vmin.f32 v16, v30  }
0x168: {  	s30 =	simm.s32 $0x18F10;
	v36 =	vld [tilespmem:s29+$0x0];
	v31 =	vsub.f32 v30, v31  }
0x169: {  	s31 =	simm.s32 $0x18F90;
	v27 =	vmax.f32 v17, v27;
	v28 =	vmin.f32 v15, v28;
	v30 =	vld [tilespmem:s30+$0x0]  }
0x16a: {  	p0 =	por $0x1, $0x1;
	s19 =	sadd.s32 $0xFFFFFFFF, s18;
	v35 =	vsub.f32 v28, v27;
	v28 =	vld [tilespmem:s31+$0x0];
	v38 =	vmax.f32 v31, $0.0e+00  }
0x16b: {  	_ = 	snop  }
0x16c: {  	s18 =	simm.s32 $0x19010;
	p4 =	sne.s32 s19, $0x1;
	v27 =	vmax.f32 v35, $0.0e+00  }
.Ltmp9:
0x16d: {  	v31 =	vadd.f32 v29, v18;
	s20 =	simm.s32 $0x18E20;
	v29 =	vld [tilespmem:s18+$0x0];
	v27 =	vmul.f32 v27, v38;
	(pc) =	sbr.rel @!p4 .LBB2_13-.Ltmp9, $4  }
0x16e: {  	s29 =	simm.s32 $0x18EA0;
	v32 =	vmax.f32 v19, v26;
	v26 =	vld [tilespmem:s20+$0x0];
	v30 =	vmin.f32 v16, v30  }
0x16f: {  	s30 =	simm.s32 $0x18F20;
	v33 =	vld [tilespmem:s29+$0x0];
	v31 =	vsub.f32 v31, v27;
	v32 =	vsub.f32 v30, v32  }
0x170: {  	s31 =	simm.s32 $0x18FA0;
	v34 =	vmax.f32 v17, v36;
	v28 =	vmin.f32 v15, v28;
	v30 =	vld [tilespmem:s30+$0x0]  }
0x171: {  	s19 =	sadd.s32 $0xFFFFFFFF, s19;
	p1 =	por $0x1, $0x1;
	v35 =	vsub.f32 v28, v34;
	v28 =	vld [tilespmem:s31+$0x0];
	v34 =	vadd.f32 $9.999999930e-09, v31;
	v38 =	vmax.f32 v32, $0.0e+00  }
0x172: {  	_ = 	snop  }
0x173: {  	s18 =	simm.s32 $0x19020;
	p4 =	sne.s32 s19, $0x1;
	v31 =	vmax.f32 v35, $0.0e+00  }
.Ltmp10:
0x174: {  	v32 =	vadd.f32 v29, v18;
	s20 =	simm.s32 $0x18E30;
	v29 =	vld [tilespmem:s18+$0x0];
	v31 =	vmul.f32 v31, v38;
	(pc) =	sbr.rel @!p4 .LBB2_15-.Ltmp10, $4  }
0x175: {  	s29 =	simm.s32 $0x18EB0;
	v63 =	vmax.f32 v19, v26;
	v26 =	vld [tilespmem:s20+$0x0];
	v30 =	vmin.f32 v16, v30  }
0x176: {  	s30 =	simm.s32 $0x18F30;
	v36 =	vld [tilespmem:s29+$0x0];
	v32 =	vsub.f32 v32, v31;
	v37 =	vsub.f32 v30, v63  }
0x177: {  	s31 =	simm.s32 $0x18FB0;
	(erf) = vrcp.f32 v34;
	v33 =	vmax.f32 v17, v33;
	v28 =	vmin.f32 v15, v28;
	v30 =	vld [tilespmem:s30+$0x0]  }
0x178: {  	s19 =	sadd.s32 $0xFFFFFFFF, s19;
	p2 =	por $0x1, $0x1;
	v35 =	vsub.f32 v28, v33;
	v28 =	vld [tilespmem:s31+$0x0];
	v33 =	vadd.f32 $9.999999930e-09, v32;
	v38 =	vmax.f32 v37, $0.0e+00  }
0x179: {  	_ =	sdelay $0x4  }
0x17a: {  	v34 =	vadd.f32 v29, v18;
	v32 =	vmax.f32 v35, $0.0e+00;
	(erf) = vrcp.f32 v33  }
0x17b: {  	s18 =	simm.s32 $0x19030;
	p4 =	sne.s32 s19, $0x1;
	v37 =	vmax.f32 v19, v26;
	v32 =	vmul.f32 v32, v38;
	v30 =	vmin.f32 v16, v30  }
.Ltmp11:
0x17c: {  	s20 =	simm.s32 $0x18E40;
	v29 =	vld [tilespmem:s18+$0x0];
	v37 =	vsub.f32 v30, v37;
	v63 =	vpop (erf);
	(pc) =	sbr.rel @!p4 .LBB2_17-.Ltmp11, $4  }
0x17d: {  	v62 =	vmov s17;
	s21 =	simm.s32 $0x18EC0;
	v26 =	vld [tilespmem:s20+$0x0];
	v34 =	vsub.f32 v34, v32;
	v38 =	vmul.f32 v63, v27  }
0x17e: {  	s22 =	simm.s32 $0x18F40;
	v39 =	vld [tilespmem:s21+$0x0];
	vm2 =	vlt.s32 v62, v25;
	v36 =	vmax.f32 v17, v36;
	v28 =	vmin.f32 v15, v28  }
0x17f: {  	s23 =	simm.s32 $0x18FC0;
	v30 =	vld [tilespmem:s22+$0x0];
	v35 =	vsub.f32 v28, v36;
	v34 =	vadd.f32 $9.999999930e-09, v34;
	vm3 =	vgt.f32 v38, $5.000000000e-01  }
0x180: {  	s24 =	sadd.s32 $0xFFFFFFFF, s19;
	p3 =	por $0x1, $0x1;
	s19 =	simm.s32 $0x0;
	v28 =	vld [tilespmem:s23+$0x0];
	v38 =	vmax.f32 v37, $0.0e+00;
	v37 =	vmovc v31;
	vm3 =	vmand vm2, vm3;
	vm2 =	vmmov vm0  }
.LBB2_18:
0x181: {  	p4 =	sne.s32 s24, $0x1;
	v35 =	vmax.f32 v35, $0.0e+00;
	(erf) = vrcp.f32 v34;
	vm2 =	vmor vm2, vm3;
	s19 =	sadd.s32 $0x10, s19  }
0x182: {  	s18 =	sadd.s32 $0x10, s18;
	v34 =	vmul.f32 v35, v38;
	v35 =	vadd.f32 v29, v18;
	v40 =	vmov s19  }
.Ltmp12:
0x183: {  	s20 =	sadd.s32 $0x10, s20;
	v38 =	vmax.f32 v19, v26;
	v29 =	vld [tilespmem:s18+$0x0];
	vm3 =	vlt.s32 v40, v25;
	v36 =	vpop (erf);
	(pc) =	sbr.rel @p4 .LBB2_18-.Ltmp12, $4  }
0x184: {  	s21 =	sadd.s32 $0x10, s21;
	v26 =	vld [tilespmem:s20+$0x0];
	v30 =	vmin.f32 v16, v30;
	v40 =	vsub.f32 v35, v34;
	v36 =	vmul.f32 v36, v37;
	v37 =	vmovc v32  }
0x185: {  	s22 =	sadd.s32 $0x10, s22;
	v35 =	vmax.f32 v17, v39;
	v32 =	vmovc v34;
	v39 =	vld [tilespmem:s21+$0x0];
	v28 =	vmin.f32 v15, v28;
	v38 =	vsub.f32 v30, v38  }
0x186: {  	s23 =	sadd.s32 $0x10, s23;
	v30 =	vld [tilespmem:s22+$0x0];
	v35 =	vsub.f32 v28, v35;
	v34 =	vadd.f32 $9.999999930e-09, v40;
	vm4 =	vgt.f32 v36, $5.000000000e-01  }
0x187: {  	s24 =	sadd.s32 $0xFFFFFFFF, s24;
	v28 =	vld [tilespmem:s23+$0x0];
	v38 =	vmax.f32 v38, $0.0e+00;
	vm3 =	vmand vm3, vm4  }
0x188: {  	_ =	sdelay $0x1  }
0x189: {  	v36 =	vmov v39  }
.LBB2_20:
0x18a: {  	s18 =	sadd.s32 @p0 $0x10, s18;
	s20 =	simm.s32 $0x19000  }
0x18b: {  	v35 =	vmax.f32 @p0 v35, $0.0e+00;
	s20 =	smov.u32 @p0 s18  }
0x18c: {  	v29 =	vadd.f32 @p0 v29, v18;
	v26 =	vmax.f32 v19, v26;
	v30 =	vmin.f32 v16, v30;
	v62 =	vld [tilespmem:s20+$0x0]  }
0x18d: {  	v36 =	vmax.f32 v17, v36;
	v35 =	vmul.f32 @p0 v35, v38;
	v28 =	vmin.f32 v15, v28  }
0x18e: {  	v26 =	vsub.f32 v30, v26;
	v28 =	vsub.f32 v28, v36  }
0x18f: {  	v29 =	vsub.f32 @p0 v29, v35  }
0x190: {  	v26 =	vmax.f32 v26, $0.0e+00;
	v28 =	vmax.f32 v28, $0.0e+00  }
0x191: {  	v29 =	vadd.f32 @p0 $9.999999930e-09, v29;
	v26 =	vmul.f32 v28, v26;
	v63 =	vadd.f32 v62, v18  }
0x192: {  	(erf) = vrcp.f32 @p1 v34  }
0x193: {  	v29 =	vpsel p0, v29, v33;
	v28 =	vsub.f32 v63, v26  }
0x194: {  	(erf) = vrcp.f32 @p0 v29  }
0x195: {  	s18 =	sadd.s32 @p3 $0x10, s19;
	s19 =	simm.s32 $0x0;
	v28 =	vadd.f32 $9.999999930e-09, v28  }
0x196: {  	s19 =	smov.u32 @p3 s18;
	v29 =	vpop @p2 (erf)  }
0x197: {  	(erf) = vrcp.f32 v28;
	v28 =	vmul.f32 @p2 v29, v37;
	v29 =	vmov @p2 s19;
	_ =	sdelay $0x1  }
0x198: {  	vm2 =	vmor @p3 vm2, vm3;
	vm3 =	vlt.s32 @p2 v29, v25;
	vm4 =	vgt.f32 @p2 v28, $5.000000000e-01  }
0x199: {  	v30 =	vmov @p0 v35;
	v29 =	vmov @p1 v32;
	vm3 =	vmand @p2 vm3, vm4  }
0x19a: {  	vm4 =	vmmov vm0;
	v28 =	vpop @p1 (erf);
	v27 =	vpsel p1, v29, v27;
	v29 =	vpsel p0, v30, v31  }
0x19b: {  	s18 =	sadd.s32 @p2 $0x10, s19;
	s19 =	simm.s32 $0x0;
	vm4 =	vmmov @p3 vm2;
	vm2 =	vmmov @p2 vm3;
	v27 =	vmul.f32 @p1 v28, v27;
	v28 =	vmovc @p0 v29  }
0x19c: {  	s19 =	smov.u32 @p2 s18;
	vm2 =	vmor @p2 vm4, vm2;
	v30 =	vpop @p0 (erf);
	v28 =	vpsel p0, v28, v0  }
0x19d: {  	s18 =	sadd.s32 @p1 $0x10, s19;
	v29 =	vmov @p1 s19;
	s19 =	simm.s32 $0x0;
	vm4 =	vgt.f32 @p1 v27, $5.000000000e-01;
	v27 =	vmul.f32 @p0 v30, v28  }
0x19e: {  	vm5 =	vmmov vm0;
	vm3 =	vlt.s32 @p1 v29, v25;
	s19 =	smov.u32 @p1 s18  }
0x19f: {  	vm5 =	vmmov @p2 vm2;
	v28 =	vmov @p0 s19;
	vm3 =	vmand @p1 vm3, vm4  }
0x1a0: {  	vm2 =	vmmov @p1 vm3;
	vm3 =	vlt.s32 @p0 v28, v25;
	vm4 =	vgt.f32 @p0 v27, $5.000000000e-01  }
0x1a1: {  	s18 =	sadd.s32 @p0 $0x10, s19;
	vm2 =	vmor @p1 vm5, vm2;
	vm3 =	vmand @p0 vm3, vm4;
	v27 =	vpop (erf)  }
0x1a2: {  	s17 =	smov.u32 @p0 s18;
	vm4 =	vmmov vm0;
	vm5 =	vmmov vm0;
	v26 =	vmul.f32 v27, v26  }
0x1a3: {  	vm4 =	vmmov @p1 vm2;
	vm2 =	vmmov @p0 vm3;
	v27 =	vmov s17  }
.Ltmp13:
0x1a4: {  	vm2 =	vmor @p0 vm4, vm2;
	vm3 =	vlt.s32 v27, v25;
	vm15 =	vgt.f32 v26, $5.000000000e-01;
	(pc) =	sbr.rel .LBB2_21-.Ltmp13, $4  }
0x1a5: {  	vm5 =	vmmov @p0 vm2;
	vm3 =	vmand vm3, vm15  }
0x1a6: {  	vm2 =	vmor vm5, vm3  }
0x1a7: {  	v25 =	vsel vm2, $0x1, v12  }
0x1a8: {  	v25 =	vor.u32 $0x80000000, v25  }
.LBB2_9:
.Ltmp14:
0x1a9: {  	(pc) =	sbr.rel .LBB2_20-.Ltmp14, $2  }
0x1aa: {  	_ =	sdelay $0x2  }
0x1ab: {  	vm2 =	vmmov vm0;
	s19 =	simm.s32 $0x0;
	s18 =	simm.s32 $0x19000;
	v36 =	vmov v27  }
.LBB2_11:
.Ltmp15:
0x1ac: {  	(pc) =	sbr.rel .LBB2_20-.Ltmp15, $2  }
0x1ad: {  	_ =	sdelay $0x2  }
0x1ae: {  	vm2 =	vmmov vm0;
	s19 =	simm.s32 $0x0;
	s18 =	simm.s32 $0x19000  }
.LBB2_13:
.Ltmp16:
0x1af: {  	(pc) =	sbr.rel .LBB2_20-.Ltmp16, $2  }
0x1b0: {  	_ =	sdelay $0x2  }
0x1b1: {  	v32 =	vmov v27;
	vm2 =	vmmov vm0;
	s19 =	simm.s32 $0x0;
	v36 =	vmov v33  }
.LBB2_15:
.Ltmp17:
0x1b2: {  	(pc) =	sbr.rel .LBB2_20-.Ltmp17, $2  }
0x1b3: {  	_ =	sdelay $0x2  }
0x1b4: {  	vm2 =	vmmov vm0;
	s19 =	simm.s32 $0x0;
	v37 =	vmovc v27;
	v32 =	vmov v31;
	v34 =	vmov v33  }
.LBB2_17:
.Ltmp18:
0x1b5: {  	(pc) =	sbr.rel .LBB2_20-.Ltmp18, $2  }
0x1b6: {  	_ =	sdelay $0x2  }
0x1b7: {  	vm2 =	vmmov vm0;
	s19 =	simm.s32 $0x0;
	v37 =	vmov v31;
	v36 =	vmov v39  }
.LBB2_22:
0x1b8: {  	s3 =	smov.u32 @p0 s3  }
.LBB2_23:
0x1b9: {  	v0 =	vimm.f32 $0.0e+00;
	s4 =	simm.s32 $0x0;
	s5 =	simm.s32 $0x200  }
.LBB2_24:
0x1ba: {  	p0 =	sne.s32 s5, $0x13600;
	[tilespmem:s4+$0x13A70] =	vst v0  }
0x1bb: {  	[tilespmem:s4+$0x13A00] =	vst v0  }
0x1bc: {  	[tilespmem:s4+$0x13A10] =	vst v0  }
.Ltmp19:
0x1bd: {  	[tilespmem:s4+$0x13A20] =	vst v0;
	(pc) =	sbr.rel @p0 .LBB2_24-.Ltmp19, $4  }
0x1be: {  	[tilespmem:s4+$0x13A30] =	vst v0  }
0x1bf: {  	[tilespmem:s4+$0x13A40] =	vst v0  }
0x1c0: {  	[tilespmem:s4+$0x13A50] =	vst v0  }
0x1c1: {  	[tilespmem:s4+$0x13A60] =	vst v0;
	s4 =	sshra.s32 s5, $0x2;
	s5 =	sadd.s32 $0x200, s5  }
0x1c2: {  	[tilespmem:s4+$0x13A70] =	vst v0  }
0x1c3: {  	[tilespmem:s4+$0x13A00] =	vst v0  }
0x1c4: {  	[tilespmem:s4+$0x13A10] =	vst v0  }
0x1c5: {  	[tilespmem:s4+$0x13A20] =	vst v0  }
0x1c6: {  	[tilespmem:s4+$0x13A30] =	vst v0  }
0x1c7: {  	[tilespmem:s4+$0x13A40] =	vst v0  }
0x1c8: {  	[tilespmem:s4+$0x13A50] =	vst v0  }
0x1c9: {  	[tilespmem:s4+$0x13A60] =	vst v0  }
0x1ca: {  	v0 =	vld [tilespmem:$0x19080]  }
0x1cb: {  	v1 =	vmov s3;
	v2 =	vlaneseq.u32  }
0x1cc: {  	vm0 =	vgt.u32 v1, v2  }
0x1cd: {  	v3 =	vld [tilespmem:$0x19100];
	_ =	sdelay $0x1  }
0x1ce: {  	v4 =	vimm.f32 $0.0e+00  }
0x1cf: {  	[tilespmem:$0x18800] =	vst v4  }
0x1d0: {  	s29 =	simm.s32 $0x13A00;
	[tilespmem:$0x18810] =	vst v4  }
0x1d1: {  	[tilespmem:v0+s29+$0x0] =	vst.idx.msk vm0, v3  }
0x1d2: {  	v0 =	vld [tilespmem:$0x19090]  }
0x1d3: {  	v53 =	vor.u32 $0x10, v2  }
0x1d4: {  	vm10 =	vgt.u32 v1, v53  }
0x1d5: {  	v54 =	vld [tilespmem:$0x19110];
	_ =	sdelay $0x4  }
0x1d6: {  	[tilespmem:v0+s29+$0x0] =	vst.idx.msk vm10, v54  }
0x1d7: {  	v0 =	vld [tilespmem:$0x190A0]  }
0x1d8: {  	v55 =	vor.u32 $0x20, v2  }
0x1d9: {  	vm11 =	vgt.u32 v1, v55  }
0x1da: {  	v56 =	vld [tilespmem:$0x19120];
	_ =	sdelay $0x4  }
0x1db: {  	[tilespmem:v0+s29+$0x0] =	vst.idx.msk vm11, v56  }
0x1dc: {  	v0 =	vld [tilespmem:$0x190B0]  }
0x1dd: {  	v57 =	vor.u32 $0x30, v2  }
0x1de: {  	vm12 =	vgt.u32 v1, v57  }
0x1df: {  	v58 =	vld [tilespmem:$0x19130];
	_ =	sdelay $0x4  }
0x1e0: {  	[tilespmem:v0+s29+$0x0] =	vst.idx.msk vm12, v58  }
0x1e1: {  	v0 =	vld [tilespmem:$0x190C0]  }
0x1e2: {  	v59 =	vor.u32 $0x40, v2  }
0x1e3: {  	vm13 =	vgt.u32 v1, v59  }
0x1e4: {  	v60 =	vld [tilespmem:$0x19140];
	_ =	sdelay $0x4  }
0x1e5: {  	[tilespmem:v0+s29+$0x0] =	vst.idx.msk vm13, v60  }
0x1e6: {  	v0 =	vld [tilespmem:$0x190D0]  }
0x1e7: {  	v61 =	vor.u32 $0x50, v2  }
0x1e8: {  	vm14 =	vgt.u32 v1, v61  }
0x1e9: {  	v62 =	vld [tilespmem:$0x19150];
	_ =	sdelay $0x4  }
0x1ea: {  	[tilespmem:v0+s29+$0x0] =	vst.idx.msk vm14, v62  }
0x1eb: {  	v0 =	vld [tilespmem:$0x190E0]  }
0x1ec: {  	v2 =	vor.u32 $0x60, v2  }
0x1ed: {  	vm15 =	vgt.u32 v1, v2  }
0x1ee: {  	v63 =	vld [tilespmem:$0x19160];
	_ =	sdelay $0x4  }
0x1ef: {  	s30 =	simm.s32 $0x0;
	s31 =	simm.s32 $0x3;
	[tilespmem:v0+s29+$0x0] =	vst.idx.msk vm15, v63  }
0x1f0: {  	[hbm4b:s2+s30] =	stream.linear.scatter [tilespmem:s29], [sflag:$0x3], $0x4E20, $0x38;
	[tilespmem:$0x19180] =	vst v63  }
0x1f1: {  	_ =	swait.ge [sflag:s31], $0x4E20  }
0x1f2: {  	[sflag:s31] =	ssyncset.done $0x0  }
0x1f3: {  	[sflag:s31] =	ssyncadd.s32 $0xFFFFB1E0  }
.LBB2_26:
0x1f4: {  	_ =	sfence.sel $0x180000  }
0x1f5: {  	[bflag:$0x0] =	sbarrier.arrive $0xFFFF  }
0x1f6: {  	p0 =	sne.s32 s1, $0x0;
	_ =	strace $0x90000047  }
0x1f7: {  	s0 =	sadd.s32 @!p0 $0x100000, s0;
	[bflag:$0x2] =	sbarrier.arrive $0xFFFF  }
0x1f8: {  	[sflag:s0] =	ssyncadd.tile.s32 @!p0 $0x1;
	_ =	shalt  }
.Lfunc_end2:
_tile_overlayer_lowered:
.L_overlay_start_2:
0x1f9: {  	(tag) =	ssettag $0x2  }
0x1fa: {  	s0 =	rddreg [dreg:$0x0];
	s2 =	stileid.u32  }
0x1fb: {  	s1 =	rddreg [dreg:$0x1];
	p0 =	sne.s32 s2, $0x0  }
0x1fc: {  	s3 =	rddreg [dreg:$0x2];
	[bflag:$0x3] =	sbarrier.arrive $0xFFFF;
	s2 =	simm.s32 @!p0 $0x1C03  }
0x1fd: {  	[timem:s3], [sflag:s2] =	dma.local @!p0 [hbm:s0], s1  }
0x1fe: {  	s0 =	simm.s32 @!p0 $0x3  }
0x1ff: {  	_ =	swait.ge @!p0 [sflag:s0], s1  }
0x200: {  	s1 =	ssub.s32 @!p0 $0x0, s1;
	[sflag:s0] =	ssyncset.done @!p0 $0x0  }
0x201: {  	[sflag:s0] =	ssyncadd.s32 @!p0 s1  }
0x202: {  	[bflag:$0x3] =	sbarrier.arrive $0xFFFF  }
0x203: {  	_ =	shalt  }

</sc_bundles>
